<compile_context>
chip_gen: v7x
topology: tpu7x:2x2x1
jax: 0.10.2.dev20260603
libtpu: 0.0.44.dev20260713+nightly
codegen_flags: <defaults>
</compile_context>

<pallas_src>
import functools

import jax
import jax.numpy as jnp
from jax import lax
from jax.experimental import pallas as pl
from jax.experimental.pallas import tpu as pltpu
from jax.experimental.pallas import tpu_sc as plsc

N = 10000
E = 160000
IN_CH = 256
HID = 512
OUT_CH = 256

NC, NS, L = 2, 16, 16
CH = 128
EPT = E // NS
K = 80
NCHUNK = EPT // K
NPT = N // NS
ZR = 125
NZ = NPT // ZR


def _sc_seg_body(xa, xb, srcr, dstr, agg_a, agg_b, deg_out,
                 acc, degacc, zbuf, zdeg, rows, srcv, dstv, onesv):
    c = lax.axis_index("c")
    s = lax.axis_index("s")
    zvec = jnp.zeros((L,), jnp.float32)

    @pl.loop(0, ZR)
    def _(i):
        for j in range(CH // L):
            zbuf[i, pl.ds(j * L, L)] = zvec
        zdeg[i, :] = zvec

    @pl.loop(0, K)
    def _(i):
        onesv[i, :] = jnp.ones((L,), jnp.float32)

    n0 = s * NPT

    @pl.loop(0, NZ)
    def _(k):
        pltpu.sync_copy(zbuf, acc.at[pl.ds(n0 + k * ZR, ZR)])

    @pl.loop(0, NZ)
    def _(k):
        pltpu.sync_copy(zdeg, degacc.at[pl.ds(n0 + k * ZR, ZR)])

    plsc.subcore_barrier()

    e0 = s * EPT

    def edge_loop(feats):
        @pl.loop(0, NCHUNK)
        def _(g):
            base = e0 + g * K
            pltpu.sync_copy(srcr.at[pl.ds(base, K)], srcv)
            pltpu.sync_copy(dstr.at[pl.ds(base, K)], dstv)
            pltpu.sync_copy(feats.at[srcv], rows)
            pltpu.sync_copy(rows, acc.at[dstv], add=True)
            pltpu.sync_copy(onesv, degacc.at[dstv], add=True)

    @pl.when(c == 0)
    def _():
        edge_loop(xa)

    @pl.when(c == 1)
    def _():
        edge_loop(xb)

    plsc.subcore_barrier()

    def write_agg(out):
        @pl.loop(0, NZ)
        def _(k):
            r0 = n0 + k * ZR
            pltpu.sync_copy(acc.at[pl.ds(r0, ZR)], zbuf)
            pltpu.sync_copy(zbuf, out.at[pl.ds(r0, ZR)])

    @pl.when(c == 0)
    def _():
        write_agg(agg_a)

        @pl.loop(0, NZ)
        def _(k):
            r0 = n0 + k * ZR
            pltpu.sync_copy(degacc.at[pl.ds(r0, ZR)], zdeg)
            pltpu.sync_copy(zdeg, deg_out.at[pl.ds(r0, ZR)])

    @pl.when(c == 1)
    def _():
        write_agg(agg_b)


@functools.cache
def _get_sc_seg():
    return pl.kernel(
        _sc_seg_body,
        out_type=(
            jax.ShapeDtypeStruct((N, CH), jnp.float32),
            jax.ShapeDtypeStruct((N, CH), jnp.float32),
            jax.ShapeDtypeStruct((N, L), jnp.float32),
        ),
        mesh=plsc.VectorSubcoreMesh(core_axis_name="c", subcore_axis_name="s",
                                    num_cores=NC, num_subcores=NS),
        compiler_params=pltpu.CompilerParams(use_tc_tiling_on_sc=False),
        scratch_types=(
        pltpu.VMEM_SHARED((N, CH), jnp.float32),
        pltpu.VMEM_SHARED((N, L), jnp.float32),
        pltpu.VMEM((ZR, CH), jnp.float32),
        pltpu.VMEM((ZR, L), jnp.float32),
        pltpu.VMEM((K, CH), jnp.float32),
        pltpu.VMEM((K,), jnp.int32),
        pltpu.VMEM((K,), jnp.int32),
        pltpu.VMEM((K, L), jnp.float32),
        ),
    )


M_BLK = 2000


def _tc1_body(agga, aggb, deg, x, w1l, w1r, b1, w2l, w2r, za, zb, y):
    r = 1.0 / jnp.maximum(deg[:, 0:1], 1.0)
    ma = agga[:, :] * r
    mb = aggb[:, :] * r
    acc = jnp.dot(ma, w1l[0:CH, :], preferred_element_type=jnp.float32)
    acc = acc + jnp.dot(mb, w1l[CH:2 * CH, :], preferred_element_type=jnp.float32)
    acc = acc + jnp.dot(x[:, :], w1r[:, :], preferred_element_type=jnp.float32)
    h = jnp.maximum(acc + b1[:, :], 0.0)
    za[:, :] = jnp.dot(h, w2l[:, 0:CH], preferred_element_type=jnp.float32)
    zb[:, :] = jnp.dot(h, w2l[:, CH:2 * CH], preferred_element_type=jnp.float32)
    y[:, :] = jnp.dot(h, w2r[:, :], preferred_element_type=jnp.float32)


_tc1 = pl.pallas_call(
    _tc1_body,
    grid=(N // M_BLK,),
    in_specs=[
        pl.BlockSpec((M_BLK, CH), lambda i: (i, 0)),
        pl.BlockSpec((M_BLK, CH), lambda i: (i, 0)),
        pl.BlockSpec((M_BLK, L), lambda i: (i, 0)),
        pl.BlockSpec((M_BLK, IN_CH), lambda i: (i, 0)),
        pl.BlockSpec((IN_CH, HID), lambda i: (0, 0)),
        pl.BlockSpec((IN_CH, HID), lambda i: (0, 0)),
        pl.BlockSpec((1, HID), lambda i: (0, 0)),
        pl.BlockSpec((HID, OUT_CH), lambda i: (0, 0)),
        pl.BlockSpec((HID, OUT_CH), lambda i: (0, 0)),
    ],
    out_specs=[
        pl.BlockSpec((M_BLK, CH), lambda i: (i, 0)),
        pl.BlockSpec((M_BLK, CH), lambda i: (i, 0)),
        pl.BlockSpec((M_BLK, OUT_CH), lambda i: (i, 0)),
    ],
    out_shape=[
        jax.ShapeDtypeStruct((N, CH), jnp.float32),
        jax.ShapeDtypeStruct((N, CH), jnp.float32),
        jax.ShapeDtypeStruct((N, OUT_CH), jnp.float32),
    ],
)


def _tc2_body(agga, aggb, deg, y, b2, out):
    r = 1.0 / jnp.maximum(deg[:, 0:1], 1.0)
    m = jnp.concatenate([agga[:, :] * r, aggb[:, :] * r], axis=1)
    out[:, :] = jax.nn.sigmoid(m + y[:, :] + b2[:, :])


_tc2 = pl.pallas_call(
    _tc2_body,
    grid=(N // M_BLK,),
    in_specs=[
        pl.BlockSpec((M_BLK, CH), lambda i: (i, 0)),
        pl.BlockSpec((M_BLK, CH), lambda i: (i, 0)),
        pl.BlockSpec((M_BLK, L), lambda i: (i, 0)),
        pl.BlockSpec((M_BLK, OUT_CH), lambda i: (i, 0)),
        pl.BlockSpec((1, OUT_CH), lambda i: (0, 0)),
    ],
    out_specs=pl.BlockSpec((M_BLK, OUT_CH), lambda i: (i, 0)),
    out_shape=jax.ShapeDtypeStruct((N, OUT_CH), jnp.float32),
)


def kernel(x, edge_index, W1_l, W1_r, b1, W2_l, W2_r, b2):
    src = edge_index[0].astype(jnp.int32)
    dst = edge_index[1].astype(jnp.int32)
    xa = x[:, :CH]
    xb = x[:, CH:]
    _sc_seg = _get_sc_seg()
    agg_a, agg_b, deg = _sc_seg(xa, xb, src, dst)
    za, zb, y = _tc1(agg_a, agg_b, deg, x, W1_l, W1_r,
                     b1.reshape(1, HID), W2_l, W2_r)
    ga, gb, _ = _sc_seg(za, zb, src, dst)
    return _tc2(ga, gb, deg, y, b2.reshape(1, OUT_CH))

# --- scband reference (transcript-rebuilt; emitter-appended) ---
"""Pipeline reference for scband-swarm-sage-31258771981091 (READ-ONLY COPY).

The authoritative reference and input builder live on the scoring server;
editing this copy changes nothing except your own understanding.
"""

import jax, jax.numpy as jnp
import numpy as np

N_NODES = 10000
N_EDGES = 160000
IN_CH = 256
HID_CH = 512
OUT_CH = 256


def setup_inputs(seed: int = 0) -> dict:
    key = jax.random.key(seed)
    ks = jax.random.split(key, 8)
    x = jax.random.normal(ks[0], (N_NODES, IN_CH), dtype=jnp.float32)
    edge_index = jax.random.randint(ks[1], (2, N_EDGES), 0, N_NODES, dtype=jnp.int64)
    # SAGEConv params: out = mean_agg(x_j) @ W_l + x @ W_r + b
    s1 = 1.0 / np.sqrt(IN_CH)
    s2 = 1.0 / np.sqrt(HID_CH)
    W1_l = jax.random.uniform(ks[2], (IN_CH, HID_CH), dtype=jnp.float32, minval=-s1, maxval=s1)
    W1_r = jax.random.uniform(ks[3], (IN_CH, HID_CH), dtype=jnp.float32, minval=-s1, maxval=s1)
    b1 = jnp.zeros((HID_CH,), dtype=jnp.float32)
    W2_l = jax.random.uniform(ks[4], (HID_CH, OUT_CH), dtype=jnp.float32, minval=-s2, maxval=s2)
    W2_r = jax.random.uniform(ks[5], (HID_CH, OUT_CH), dtype=jnp.float32, minval=-s2, maxval=s2)
    b2 = jnp.zeros((OUT_CH,), dtype=jnp.float32)
    return {"x": x, "edge_index": edge_index, "W1_l": W1_l, "W1_r": W1_r, "b1": b1,
            "W2_l": W2_l, "W2_r": W2_r, "b2": b2}


def _sage_conv(x, edge_index, W_l, W_r, b):
    src = edge_index[0]
    dst = edge_index[1]
    msg = jnp.take(x, src, axis=0)                       # gather source features
    agg = jax.ops.segment_sum(msg, dst, num_segments=x.shape[0])
    deg = jax.ops.segment_sum(jnp.ones((edge_index.shape[1],), dtype=x.dtype), dst,
                              num_segments=x.shape[0])
    mean = agg / jnp.clip(deg, 1.0, None)[:, None]       # mean aggregation
    return mean @ W_l + x @ W_r + b


def reference(x, edge_index, W1_l, W1_r, b1, W2_l, W2_r, b2):
    h = _sage_conv(x, edge_index, W1_l, W1_r, b1)
    h = jax.nn.relu(h)
    # dropout p=0.5 is identity at inference (training=False)
    h = _sage_conv(h, edge_index, W2_l, W2_r, b2)
    return jax.nn.sigmoid(h)

if __name__ == "__main__":
    import jax
    _d = setup_inputs()
    print(jax.jit(kernel)(*tuple(_d.values())))

</pallas_src>

<mosaic_0001>
#map = affine_map<(d0, d1) -> (0, 0)>
#map1 = affine_map<(d0, d1) -> (0)>
module attributes {stable_mosaic.version = 14 : i64} {
  func.func @_sc_seg_body(%arg0: i32, %arg1: i32, %arg2: memref<10000x128xf32, #tpu.memory_space<hbm>>, %arg3: memref<10000x128xf32, #tpu.memory_space<hbm>>, %arg4: memref<160000xi32, #tpu.memory_space<hbm>>, %arg5: memref<160000xi32, #tpu.memory_space<hbm>>, %arg6: memref<10000x128xf32, #tpu.memory_space<hbm>>, %arg7: memref<10000x128xf32, #tpu.memory_space<hbm>>, %arg8: memref<10000x16xf32, #tpu.memory_space<hbm>>, %arg9: memref<10000x128xf32, #tpu.memory_space<vmem_shared>>, %arg10: memref<10000x16xf32, #tpu.memory_space<vmem_shared>>, %arg11: memref<125x128xf32, #tpu.memory_space<vmem>>, %arg12: memref<125x16xf32, #tpu.memory_space<vmem>>, %arg13: memref<80x128xf32, #tpu.memory_space<vmem>>, %arg14: memref<80xi32, #tpu.memory_space<vmem>>, %arg15: memref<80xi32, #tpu.memory_space<vmem>>, %arg16: memref<80x16xf32, #tpu.memory_space<vmem>>) attributes {dimension_semantics = [#tpu.dimension_semantics<core_parallel>, #tpu.dimension_semantics<subcore_parallel>], iteration_bounds = array<i64: 2, 16>, scalar_prefetch = 0 : i64, scratch_operands = 8 : i64, tpu.core_type = #tpu.core_type<sc_vector_subcore>, window_params = [{transform_indices = #map}, {transform_indices = #map}, {transform_indices = #map1}, {transform_indices = #map1}, {transform_indices = #map}, {transform_indices = #map}, {transform_indices = #map}]} {
    %broadcast_in_dim3A = arith.constant 0.000000e+00 : f32
    %broadcast_in_dim3A_0 = vector.broadcast %broadcast_in_dim3A : f32 to vector<16xf32>
    %scan3A = arith.constant 0 : i32
    %scan3A_1 = arith.constant 125 : i32
    %scan3A_2 = arith.addi %scan3A, %scan3A_1 : i32
    %scan3A_3 = arith.constant 1 : i32
    scf.for %scan3A_41 = %scan3A to %scan3A_2 step %scan3A_3  : i32 {
      %mul3A_42 = arith.constant 1 : i32
      %mul3A_43 = arith.muli %scan3A_41, %mul3A_42 : i32
      %add3A = arith.constant 0 : i32
      %add3A_44 = arith.addi %add3A, %mul3A_43 : i32
      %swap3A = arith.index_cast %add3A_44 : i32 to index
      %swap3A_45 = arith.constant 0 : index
      %swap3A_46 = tpu.vector_load %arg11[%swap3A, %swap3A_45] {strides = array<i32>} : memref<125x128xf32, #tpu.memory_space<vmem>>, vector<1x16xf32>,
      %swap3A_47 = vector.shape_cast %swap3A_46 : vector<1x16xf32> to vector<16xf32>
      %swap3A_48 = vector.shape_cast %broadcast_in_dim3A_0 : vector<16xf32> to vector<1x16xf32>
      tpu.vector_store %arg11[%swap3A, %swap3A_45], %swap3A_48 {strides = array<i32>} : memref<125x128xf32, #tpu.memory_space<vmem>>, vector<1x16xf32>,
      %swap3A_49 = arith.index_cast %add3A_44 : i32 to index
      %swap3A_50 = arith.constant 16 : index
      %swap3A_51 = tpu.vector_load %arg11[%swap3A_49, %swap3A_50] {strides = array<i32>} : memref<125x128xf32, #tpu.memory_space<vmem>>, vector<1x16xf32>,
      %swap3A_52 = vector.shape_cast %swap3A_51 : vector<1x16xf32> to vector<16xf32>
      %swap3A_53 = vector.shape_cast %broadcast_in_dim3A_0 : vector<16xf32> to vector<1x16xf32>
      tpu.vector_store %arg11[%swap3A_49, %swap3A_50], %swap3A_53 {strides = array<i32>} : memref<125x128xf32, #tpu.memory_space<vmem>>, vector<1x16xf32>,
      %swap3A_54 = arith.index_cast %add3A_44 : i32 to index
      %swap3A_55 = arith.constant 32 : index
      %swap3A_56 = tpu.vector_load %arg11[%swap3A_54, %swap3A_55] {strides = array<i32>} : memref<125x128xf32, #tpu.memory_space<vmem>>, vector<1x16xf32>,
      %swap3A_57 = vector.shape_cast %swap3A_56 : vector<1x16xf32> to vector<16xf32>
      %swap3A_58 = vector.shape_cast %broadcast_in_dim3A_0 : vector<16xf32> to vector<1x16xf32>
      tpu.vector_store %arg11[%swap3A_54, %swap3A_55], %swap3A_58 {strides = array<i32>} : memref<125x128xf32, #tpu.memory_space<vmem>>, vector<1x16xf32>,
      %swap3A_59 = arith.index_cast %add3A_44 : i32 to index
      %swap3A_60 = arith.constant 48 : index
      %swap3A_61 = tpu.vector_load %arg11[%swap3A_59, %swap3A_60] {strides = array<i32>} : memref<125x128xf32, #tpu.memory_space<vmem>>, vector<1x16xf32>,
      %swap3A_62 = vector.shape_cast %swap3A_61 : vector<1x16xf32> to vector<16xf32>
      %swap3A_63 = vector.shape_cast %broadcast_in_dim3A_0 : vector<16xf32> to vector<1x16xf32>
      tpu.vector_store %arg11[%swap3A_59, %swap3A_60], %swap3A_63 {strides = array<i32>} : memref<125x128xf32, #tpu.memory_space<vmem>>, vector<1x16xf32>,
      %swap3A_64 = arith.index_cast %add3A_44 : i32 to index
      %swap3A_65 = arith.constant 64 : index
      %swap3A_66 = tpu.vector_load %arg11[%swap3A_64, %swap3A_65] {strides = array<i32>} : memref<125x128xf32, #tpu.memory_space<vmem>>, vector<1x16xf32>,
      %swap3A_67 = vector.shape_cast %swap3A_66 : vector<1x16xf32> to vector<16xf32>
      %swap3A_68 = vector.shape_cast %broadcast_in_dim3A_0 : vector<16xf32> to vector<1x16xf32>
      tpu.vector_store %arg11[%swap3A_64, %swap3A_65], %swap3A_68 {strides = array<i32>} : memref<125x128xf32, #tpu.memory_space<vmem>>, vector<1x16xf32>,
      %swap3A_69 = arith.index_cast %add3A_44 : i32 to index
      %swap3A_70 = arith.constant 80 : index
      %swap3A_71 = tpu.vector_load %arg11[%swap3A_69, %swap3A_70] {strides = array<i32>} : memref<125x128xf32, #tpu.memory_space<vmem>>, vector<1x16xf32>,
      %swap3A_72 = vector.shape_cast %swap3A_71 : vector<1x16xf32> to vector<16xf32>
      %swap3A_73 = vector.shape_cast %broadcast_in_dim3A_0 : vector<16xf32> to vector<1x16xf32>
      tpu.vector_store %arg11[%swap3A_69, %swap3A_70], %swap3A_73 {strides = array<i32>} : memref<125x128xf32, #tpu.memory_space<vmem>>, vector<1x16xf32>,
      %swap3A_74 = arith.index_cast %add3A_44 : i32 to index
      %swap3A_75 = arith.constant 96 : index
      %swap3A_76 = tpu.vector_load %arg11[%swap3A_74, %swap3A_75] {strides = array<i32>} : memref<125x128xf32, #tpu.memory_space<vmem>>, vector<1x16xf32>,
      %swap3A_77 = vector.shape_cast %swap3A_76 : vector<1x16xf32> to vector<16xf32>
      %swap3A_78 = vector.shape_cast %broadcast_in_dim3A_0 : vector<16xf32> to vector<1x16xf32>
      tpu.vector_store %arg11[%swap3A_74, %swap3A_75], %swap3A_78 {strides = array<i32>} : memref<125x128xf32, #tpu.memory_space<vmem>>, vector<1x16xf32>,
      %swap3A_79 = arith.index_cast %add3A_44 : i32 to index
      %swap3A_80 = arith.constant 112 : index
      %swap3A_81 = tpu.vector_load %arg11[%swap3A_79, %swap3A_80] {strides = array<i32>} : memref<125x128xf32, #tpu.memory_space<vmem>>, vector<1x16xf32>,
      %swap3A_82 = vector.shape_cast %swap3A_81 : vector<1x16xf32> to vector<16xf32>
      %swap3A_83 = vector.shape_cast %broadcast_in_dim3A_0 : vector<16xf32> to vector<1x16xf32>
      tpu.vector_store %arg11[%swap3A_79, %swap3A_80], %swap3A_83 {strides = array<i32>} : memref<125x128xf32, #tpu.memory_space<vmem>>, vector<1x16xf32>,
      %swap3A_84 = arith.index_cast %add3A_44 : i32 to index
      %swap3A_85 = arith.constant 0 : index
      %swap3A_86 = tpu.vector_load %arg12[%swap3A_84, %swap3A_85] {strides = array<i32>} : memref<125x16xf32, #tpu.memory_space<vmem>>, vector<1x16xf32>,
      %swap3A_87 = vector.shape_cast %swap3A_86 : vector<1x16xf32> to vector<16xf32>
      %swap3A_88 = vector.shape_cast %broadcast_in_dim3A_0 : vector<16xf32> to vector<1x16xf32>
      tpu.vector_store %arg12[%swap3A_84, %swap3A_85], %swap3A_88 {strides = array<i32>} : memref<125x16xf32, #tpu.memory_space<vmem>>, vector<1x16xf32>,
    }
    %scan3A_4 = arith.constant 125 : i32
    %scan3A_5 = arith.constant 0 : i32
    %scan3A_6 = arith.constant 80 : i32
    %scan3A_7 = arith.addi %scan3A_5, %scan3A_6 : i32
    %scan3A_8 = arith.constant 1 : i32
    scf.for %scan3A_41 = %scan3A_5 to %scan3A_7 step %scan3A_8  : i32 {
      %mul3A_42 = arith.constant 1 : i32
      %mul3A_43 = arith.muli %scan3A_41, %mul3A_42 : i32
      %add3A = arith.constant 0 : i32
      %add3A_44 = arith.addi %add3A, %mul3A_43 : i32
      %broadcast_in_dim3A_45 = arith.constant 1.000000e+00 : f32
      %broadcast_in_dim3A_46 = vector.broadcast %broadcast_in_dim3A_45 : f32 to vector<16xf32>
      %swap3A = arith.index_cast %add3A_44 : i32 to index
      %swap3A_47 = arith.constant 0 : index
      %swap3A_48 = tpu.vector_load %arg16[%swap3A, %swap3A_47] {strides = array<i32>} : memref<80x16xf32, #tpu.memory_space<vmem>>, vector<1x16xf32>,
      %swap3A_49 = vector.shape_cast %swap3A_48 : vector<1x16xf32> to vector<16xf32>
      %swap3A_50 = vector.shape_cast %broadcast_in_dim3A_46 : vector<16xf32> to vector<1x16xf32>
      tpu.vector_store %arg16[%swap3A, %swap3A_47], %swap3A_50 {strides = array<i32>} : memref<80x16xf32, #tpu.memory_space<vmem>>, vector<1x16xf32>,
    }
    %scan3A_9 = arith.constant 80 : i32
    %mul3A = arith.constant 625 : i32
    %mul3A_10 = arith.muli %arg1, %mul3A : i32
    %scan3A_11 = arith.constant 0 : i32
    %scan3A_12 = arith.constant 5 : i32
    %scan3A_13 = arith.addi %scan3A_11, %scan3A_12 : i32
    %scan3A_14 = arith.constant 1 : i32
    scf.for %scan3A_41 = %scan3A_11 to %scan3A_13 step %scan3A_14  : i32 {
      %mul3A_42 = arith.constant 1 : i32
      %mul3A_43 = arith.muli %scan3A_41, %mul3A_42 : i32
      %add3A = arith.constant 0 : i32
      %add3A_44 = arith.addi %add3A, %mul3A_43 : i32
      %mul3A_45 = arith.constant 125 : i32
      %mul3A_46 = arith.muli %add3A_44, %mul3A_45 : i32
      %add3A_47 = arith.addi %mul3A_10, %mul3A_46 : i32
      "tpu.region"() ({
        %run_scoped3A = tpu.sem_alloc : memref<!tpu.dma_semaphore, #tpu.memory_space<semaphore_mem>>
        %dma_start3A = arith.constant 0 : i32
        %dma_start3A_48 = tpu.memref_slice %arg9[%add3A_47, %dma_start3A] : memref<10000x128xf32, #tpu.memory_space<vmem_shared>> -> memref<125x128xf32, #tpu.memory_space<vmem_shared>>
        %dma_start3A_49 = arith.constant 0 : i32
        %dma_start3A_50 = tpu.memref_slice %arg9[%add3A_47, %dma_start3A_49] : memref<10000x128xf32, #tpu.memory_space<vmem_shared>> -> memref<125x128xf32, #tpu.memory_space<vmem_shared>>
        tpu.enqueue_dma source(%arg11 : memref<125x128xf32, #tpu.memory_space<vmem>>) target(%dma_start3A_50 : memref<125x128xf32, #tpu.memory_space<vmem_shared>>) target_semaphore(%run_scoped3A : memref<!tpu.dma_semaphore, #tpu.memory_space<semaphore_mem>>)
        %dma_wait3A = arith.constant 0 : i32
        %dma_wait3A_51 = tpu.memref_slice %arg9[%add3A_47, %dma_wait3A] : memref<10000x128xf32, #tpu.memory_space<vmem_shared>> -> memref<125x128xf32, #tpu.memory_space<vmem_shared>>
        %dma_wait3A_52 = arith.constant 0 : i32
        %dma_wait3A_53 = tpu.memref_slice %arg9[%add3A_47, %dma_wait3A_52] : memref<10000x128xf32, #tpu.memory_space<vmem_shared>> -> memref<125x128xf32, #tpu.memory_space<vmem_shared>>
        tpu.wait_dma2 semaphore(%run_scoped3A : memref<!tpu.dma_semaphore, #tpu.memory_space<semaphore_mem>>) src(%arg11 : memref<125x128xf32, #tpu.memory_space<vmem>>) dst(%dma_wait3A_53 : memref<125x128xf32, #tpu.memory_space<vmem_shared>>)
        tpu.yield
      }) : () -> ()
    }
    %scan3A_15 = arith.constant 5 : i32
    %scan3A_16 = arith.constant 0 : i32
    %scan3A_17 = arith.constant 5 : i32
    %scan3A_18 = arith.addi %scan3A_16, %scan3A_17 : i32
    %scan3A_19 = arith.constant 1 : i32
    scf.for %scan3A_41 = %scan3A_16 to %scan3A_18 step %scan3A_19  : i32 {
      %mul3A_42 = arith.constant 1 : i32
      %mul3A_43 = arith.muli %scan3A_41, %mul3A_42 : i32
      %add3A = arith.constant 0 : i32
      %add3A_44 = arith.addi %add3A, %mul3A_43 : i32
      %mul3A_45 = arith.constant 125 : i32
      %mul3A_46 = arith.muli %add3A_44, %mul3A_45 : i32
      %add3A_47 = arith.addi %mul3A_10, %mul3A_46 : i32
      "tpu.region"() ({
        %run_scoped3A = tpu.sem_alloc : memref<!tpu.dma_semaphore, #tpu.memory_space<semaphore_mem>>
        %dma_start3A = arith.constant 0 : i32
        %dma_start3A_48 = tpu.memref_slice %arg10[%add3A_47, %dma_start3A] : memref<10000x16xf32, #tpu.memory_space<vmem_shared>> -> memref<125x16xf32, #tpu.memory_space<vmem_shared>>
        %dma_start3A_49 = arith.constant 0 : i32
        %dma_start3A_50 = tpu.memref_slice %arg10[%add3A_47, %dma_start3A_49] : memref<10000x16xf32, #tpu.memory_space<vmem_shared>> -> memref<125x16xf32, #tpu.memory_space<vmem_shared>>
        tpu.enqueue_dma source(%arg12 : memref<125x16xf32, #tpu.memory_space<vmem>>) target(%dma_start3A_50 : memref<125x16xf32, #tpu.memory_space<vmem_shared>>) target_semaphore(%run_scoped3A : memref<!tpu.dma_semaphore, #tpu.memory_space<semaphore_mem>>)
        %dma_wait3A = arith.constant 0 : i32
        %dma_wait3A_51 = tpu.memref_slice %arg10[%add3A_47, %dma_wait3A] : memref<10000x16xf32, #tpu.memory_space<vmem_shared>> -> memref<125x16xf32, #tpu.memory_space<vmem_shared>>
        %dma_wait3A_52 = arith.constant 0 : i32
        %dma_wait3A_53 = tpu.memref_slice %arg10[%add3A_47, %dma_wait3A_52] : memref<10000x16xf32, #tpu.memory_space<vmem_shared>> -> memref<125x16xf32, #tpu.memory_space<vmem_shared>>
        tpu.wait_dma2 semaphore(%run_scoped3A : memref<!tpu.dma_semaphore, #tpu.memory_space<semaphore_mem>>) src(%arg12 : memref<125x16xf32, #tpu.memory_space<vmem>>) dst(%dma_wait3A_53 : memref<125x16xf32, #tpu.memory_space<vmem_shared>>)
        tpu.yield
      }) : () -> ()
    }
    %scan3A_20 = arith.constant 5 : i32
    %barrier3A = arith.constant 0 : index
    tpu.barrier barrier_id(%barrier3A)
    %mul3A_21 = arith.constant 10000 : i32
    %mul3A_22 = arith.muli %arg1, %mul3A_21 : i32
    %eq3A = arith.constant 0 : i32
    %eq3A_23 = arith.cmpi eq, %arg0, %eq3A : i32
    %convert_element_type3A = arith.extui %eq3A_23 : i1 to i32
    %cond3A = arith.constant 0 : i32
    %cond3A_24 = arith.cmpi ne, %convert_element_type3A, %cond3A : i32
    scf.if %cond3A_24 {
      %scan3A_41 = arith.constant 0 : i32
      %scan3A_42 = arith.constant 125 : i32
      %scan3A_43 = arith.addi %scan3A_41, %scan3A_42 : i32
      %scan3A_44 = arith.constant 1 : i32
      scf.for %scan3A_46 = %scan3A_41 to %scan3A_43 step %scan3A_44  : i32 {
        %mul3A_47 = arith.constant 1 : i32
        %mul3A_48 = arith.muli %scan3A_46, %mul3A_47 : i32
        %add3A = arith.constant 0 : i32
        %add3A_49 = arith.addi %add3A, %mul3A_48 : i32
        %mul3A_50 = arith.constant 80 : i32
        %mul3A_51 = arith.muli %add3A_49, %mul3A_50 : i32
        %add3A_52 = arith.addi %mul3A_22, %mul3A_51 : i32
        "tpu.region"() ({
          %run_scoped3A = tpu.sem_alloc : memref<!tpu.dma_semaphore, #tpu.memory_space<semaphore_mem>>
          %dma_start3A = tpu.memref_slice %arg4[%add3A_52] : memref<160000xi32, #tpu.memory_space<hbm>> -> memref<80xi32, #tpu.memory_space<hbm>>
          %dma_start3A_53 = tpu.memref_slice %arg4[%add3A_52] : memref<160000xi32, #tpu.memory_space<hbm>> -> memref<80xi32, #tpu.memory_space<hbm>>
          tpu.enqueue_dma source(%dma_start3A_53 : memref<80xi32, #tpu.memory_space<hbm>>) target(%arg14 : memref<80xi32, #tpu.memory_space<vmem>>) target_semaphore(%run_scoped3A : memref<!tpu.dma_semaphore, #tpu.memory_space<semaphore_mem>>)
          %dma_wait3A = tpu.memref_slice %arg4[%add3A_52] : memref<160000xi32, #tpu.memory_space<hbm>> -> memref<80xi32, #tpu.memory_space<hbm>>
          %dma_wait3A_54 = tpu.memref_slice %arg4[%add3A_52] : memref<160000xi32, #tpu.memory_space<hbm>> -> memref<80xi32, #tpu.memory_space<hbm>>
          tpu.wait_dma2 semaphore(%run_scoped3A : memref<!tpu.dma_semaphore, #tpu.memory_space<semaphore_mem>>) src(%dma_wait3A_54 : memref<80xi32, #tpu.memory_space<hbm>>) dst(%arg14 : memref<80xi32, #tpu.memory_space<vmem>>)
          tpu.yield
        }) : () -> ()
        "tpu.region"() ({
          %run_scoped3A = tpu.sem_alloc : memref<!tpu.dma_semaphore, #tpu.memory_space<semaphore_mem>>
          %dma_start3A = tpu.memref_slice %arg5[%add3A_52] : memref<160000xi32, #tpu.memory_space<hbm>> -> memref<80xi32, #tpu.memory_space<hbm>>
          %dma_start3A_53 = tpu.memref_slice %arg5[%add3A_52] : memref<160000xi32, #tpu.memory_space<hbm>> -> memref<80xi32, #tpu.memory_space<hbm>>
          tpu.enqueue_dma source(%dma_start3A_53 : memref<80xi32, #tpu.memory_space<hbm>>) target(%arg15 : memref<80xi32, #tpu.memory_space<vmem>>) target_semaphore(%run_scoped3A : memref<!tpu.dma_semaphore, #tpu.memory_space<semaphore_mem>>)
          %dma_wait3A = tpu.memref_slice %arg5[%add3A_52] : memref<160000xi32, #tpu.memory_space<hbm>> -> memref<80xi32, #tpu.memory_space<hbm>>
          %dma_wait3A_54 = tpu.memref_slice %arg5[%add3A_52] : memref<160000xi32, #tpu.memory_space<hbm>> -> memref<80xi32, #tpu.memory_space<hbm>>
          tpu.wait_dma2 semaphore(%run_scoped3A : memref<!tpu.dma_semaphore, #tpu.memory_space<semaphore_mem>>) src(%dma_wait3A_54 : memref<80xi32, #tpu.memory_space<hbm>>) dst(%arg15 : memref<80xi32, #tpu.memory_space<vmem>>)
          tpu.yield
        }) : () -> ()
        "tpu.region"() ({
          %run_scoped3A = tpu.sem_alloc : memref<!tpu.dma_semaphore, #tpu.memory_space<semaphore_mem>>
          %dma_start3A = arith.constant 0 : i32
          %dma_start3A_53 = arith.constant 0 : i32
          %dma_start3A_54 = tpu.memref_slice %arg2[%dma_start3A, %dma_start3A_53] : memref<10000x128xf32, #tpu.memory_space<hbm>> -> memref<10000x128xf32, #tpu.memory_space<hbm>>
          tpu.enqueue_indirect_dma source(%dma_start3A_54 : memref<10000x128xf32, #tpu.memory_space<hbm>>) target(%arg13 : memref<80x128xf32, #tpu.memory_space<vmem>>) offsets(%arg14 : memref<80xi32, #tpu.memory_space<vmem>>) semaphore(%run_scoped3A : memref<!tpu.dma_semaphore, #tpu.memory_space<semaphore_mem>>)
          %dma_wait3A = arith.constant 0 : i32
          %dma_wait3A_55 = arith.constant 0 : i32
          %dma_wait3A_56 = tpu.memref_slice %arg2[%dma_wait3A, %dma_wait3A_55] : memref<10000x128xf32, #tpu.memory_space<hbm>> -> memref<10000x128xf32, #tpu.memory_space<hbm>>
          tpu.wait_indirect_dma semaphore(%run_scoped3A : memref<!tpu.dma_semaphore, #tpu.memory_space<semaphore_mem>>) src(%dma_wait3A_56 : memref<10000x128xf32, #tpu.memory_space<hbm>>) dst(%arg13 : memref<80x128xf32, #tpu.memory_space<vmem>>)
          tpu.yield
        }) : () -> ()
        "tpu.region"() ({
          %run_scoped3A = tpu.sem_alloc : memref<!tpu.dma_semaphore, #tpu.memory_space<semaphore_mem>>
          %dma_start3A = arith.constant 0 : i32
          %dma_start3A_53 = arith.constant 0 : i32
          %dma_start3A_54 = tpu.memref_slice %arg9[%dma_start3A, %dma_start3A_53] : memref<10000x128xf32, #tpu.memory_space<vmem_shared>> -> memref<10000x128xf32, #tpu.memory_space<vmem_shared>>
          tpu.enqueue_indirect_dma source(%arg13 : memref<80x128xf32, #tpu.memory_space<vmem>>) target(%dma_start3A_54 : memref<10000x128xf32, #tpu.memory_space<vmem_shared>>) offsets(%arg15 : memref<80xi32, #tpu.memory_space<vmem>>) semaphore(%run_scoped3A : memref<!tpu.dma_semaphore, #tpu.memory_space<semaphore_mem>>) {add = true}
          %dma_wait3A = arith.constant 0 : i32
          %dma_wait3A_55 = arith.constant 0 : i32
          %dma_wait3A_56 = tpu.memref_slice %arg9[%dma_wait3A, %dma_wait3A_55] : memref<10000x128xf32, #tpu.memory_space<vmem_shared>> -> memref<10000x128xf32, #tpu.memory_space<vmem_shared>>
          tpu.wait_indirect_dma semaphore(%run_scoped3A : memref<!tpu.dma_semaphore, #tpu.memory_space<semaphore_mem>>) src(%arg13 : memref<80x128xf32, #tpu.memory_space<vmem>>) dst(%dma_wait3A_56 : memref<10000x128xf32, #tpu.memory_space<vmem_shared>>)
          tpu.yield
        }) : () -> ()
        "tpu.region"() ({
          %run_scoped3A = tpu.sem_alloc : memref<!tpu.dma_semaphore, #tpu.memory_space<semaphore_mem>>
          %dma_start3A = arith.constant 0 : i32
          %dma_start3A_53 = arith.constant 0 : i32
          %dma_start3A_54 = tpu.memref_slice %arg10[%dma_start3A, %dma_start3A_53] : memref<10000x16xf32, #tpu.memory_space<vmem_shared>> -> memref<10000x16xf32, #tpu.memory_space<vmem_shared>>
          tpu.enqueue_indirect_dma source(%arg16 : memref<80x16xf32, #tpu.memory_space<vmem>>) target(%dma_start3A_54 : memref<10000x16xf32, #tpu.memory_space<vmem_shared>>) offsets(%arg15 : memref<80xi32, #tpu.memory_space<vmem>>) semaphore(%run_scoped3A : memref<!tpu.dma_semaphore, #tpu.memory_space<semaphore_mem>>) {add = true}
          %dma_wait3A = arith.constant 0 : i32
          %dma_wait3A_55 = arith.constant 0 : i32
          %dma_wait3A_56 = tpu.memref_slice %arg10[%dma_wait3A, %dma_wait3A_55] : memref<10000x16xf32, #tpu.memory_space<vmem_shared>> -> memref<10000x16xf32, #tpu.memory_space<vmem_shared>>
          tpu.wait_indirect_dma semaphore(%run_scoped3A : memref<!tpu.dma_semaphore, #tpu.memory_space<semaphore_mem>>) src(%arg16 : memref<80x16xf32, #tpu.memory_space<vmem>>) dst(%dma_wait3A_56 : memref<10000x16xf32, #tpu.memory_space<vmem_shared>>)
          tpu.yield
        }) : () -> ()
      }
      %scan3A_45 = arith.constant 125 : i32
    } else {
    }
    %eq3A_25 = arith.constant 1 : i32
    %eq3A_26 = arith.cmpi eq, %arg0, %eq3A_25 : i32
    %convert_element_type3A_27 = arith.extui %eq3A_26 : i1 to i32
    %cond3A_28 = arith.constant 0 : i32
    %cond3A_29 = arith.cmpi ne, %convert_element_type3A_27, %cond3A_28 : i32
    scf.if %cond3A_29 {
      %scan3A_41 = arith.constant 0 : i32
      %scan3A_42 = arith.constant 125 : i32
      %scan3A_43 = arith.addi %scan3A_41, %scan3A_42 : i32
      %scan3A_44 = arith.constant 1 : i32
      scf.for %scan3A_46 = %scan3A_41 to %scan3A_43 step %scan3A_44  : i32 {
        %mul3A_47 = arith.constant 1 : i32
        %mul3A_48 = arith.muli %scan3A_46, %mul3A_47 : i32
        %add3A = arith.constant 0 : i32
        %add3A_49 = arith.addi %add3A, %mul3A_48 : i32
        %mul3A_50 = arith.constant 80 : i32
        %mul3A_51 = arith.muli %add3A_49, %mul3A_50 : i32
        %add3A_52 = arith.addi %mul3A_22, %mul3A_51 : i32
        "tpu.region"() ({
          %run_scoped3A = tpu.sem_alloc : memref<!tpu.dma_semaphore, #tpu.memory_space<semaphore_mem>>
          %dma_start3A = tpu.memref_slice %arg4[%add3A_52] : memref<160000xi32, #tpu.memory_space<hbm>> -> memref<80xi32, #tpu.memory_space<hbm>>
          %dma_start3A_53 = tpu.memref_slice %arg4[%add3A_52] : memref<160000xi32, #tpu.memory_space<hbm>> -> memref<80xi32, #tpu.memory_space<hbm>>
          tpu.enqueue_dma source(%dma_start3A_53 : memref<80xi32, #tpu.memory_space<hbm>>) target(%arg14 : memref<80xi32, #tpu.memory_space<vmem>>) target_semaphore(%run_scoped3A : memref<!tpu.dma_semaphore, #tpu.memory_space<semaphore_mem>>)
          %dma_wait3A = tpu.memref_slice %arg4[%add3A_52] : memref<160000xi32, #tpu.memory_space<hbm>> -> memref<80xi32, #tpu.memory_space<hbm>>
          %dma_wait3A_54 = tpu.memref_slice %arg4[%add3A_52] : memref<160000xi32, #tpu.memory_space<hbm>> -> memref<80xi32, #tpu.memory_space<hbm>>
          tpu.wait_dma2 semaphore(%run_scoped3A : memref<!tpu.dma_semaphore, #tpu.memory_space<semaphore_mem>>) src(%dma_wait3A_54 : memref<80xi32, #tpu.memory_space<hbm>>) dst(%arg14 : memref<80xi32, #tpu.memory_space<vmem>>)
          tpu.yield
        }) : () -> ()
        "tpu.region"() ({
          %run_scoped3A = tpu.sem_alloc : memref<!tpu.dma_semaphore, #tpu.memory_space<semaphore_mem>>
          %dma_start3A = tpu.memref_slice %arg5[%add3A_52] : memref<160000xi32, #tpu.memory_space<hbm>> -> memref<80xi32, #tpu.memory_space<hbm>>
          %dma_start3A_53 = tpu.memref_slice %arg5[%add3A_52] : memref<160000xi32, #tpu.memory_space<hbm>> -> memref<80xi32, #tpu.memory_space<hbm>>
          tpu.enqueue_dma source(%dma_start3A_53 : memref<80xi32, #tpu.memory_space<hbm>>) target(%arg15 : memref<80xi32, #tpu.memory_space<vmem>>) target_semaphore(%run_scoped3A : memref<!tpu.dma_semaphore, #tpu.memory_space<semaphore_mem>>)
          %dma_wait3A = tpu.memref_slice %arg5[%add3A_52] : memref<160000xi32, #tpu.memory_space<hbm>> -> memref<80xi32, #tpu.memory_space<hbm>>
          %dma_wait3A_54 = tpu.memref_slice %arg5[%add3A_52] : memref<160000xi32, #tpu.memory_space<hbm>> -> memref<80xi32, #tpu.memory_space<hbm>>
          tpu.wait_dma2 semaphore(%run_scoped3A : memref<!tpu.dma_semaphore, #tpu.memory_space<semaphore_mem>>) src(%dma_wait3A_54 : memref<80xi32, #tpu.memory_space<hbm>>) dst(%arg15 : memref<80xi32, #tpu.memory_space<vmem>>)
          tpu.yield
        }) : () -> ()
        "tpu.region"() ({
          %run_scoped3A = tpu.sem_alloc : memref<!tpu.dma_semaphore, #tpu.memory_space<semaphore_mem>>
          %dma_start3A = arith.constant 0 : i32
          %dma_start3A_53 = arith.constant 0 : i32
          %dma_start3A_54 = tpu.memref_slice %arg3[%dma_start3A, %dma_start3A_53] : memref<10000x128xf32, #tpu.memory_space<hbm>> -> memref<10000x128xf32, #tpu.memory_space<hbm>>
          tpu.enqueue_indirect_dma source(%dma_start3A_54 : memref<10000x128xf32, #tpu.memory_space<hbm>>) target(%arg13 : memref<80x128xf32, #tpu.memory_space<vmem>>) offsets(%arg14 : memref<80xi32, #tpu.memory_space<vmem>>) semaphore(%run_scoped3A : memref<!tpu.dma_semaphore, #tpu.memory_space<semaphore_mem>>)
          %dma_wait3A = arith.constant 0 : i32
          %dma_wait3A_55 = arith.constant 0 : i32
          %dma_wait3A_56 = tpu.memref_slice %arg3[%dma_wait3A, %dma_wait3A_55] : memref<10000x128xf32, #tpu.memory_space<hbm>> -> memref<10000x128xf32, #tpu.memory_space<hbm>>
          tpu.wait_indirect_dma semaphore(%run_scoped3A : memref<!tpu.dma_semaphore, #tpu.memory_space<semaphore_mem>>) src(%dma_wait3A_56 : memref<10000x128xf32, #tpu.memory_space<hbm>>) dst(%arg13 : memref<80x128xf32, #tpu.memory_space<vmem>>)
          tpu.yield
        }) : () -> ()
        "tpu.region"() ({
          %run_scoped3A = tpu.sem_alloc : memref<!tpu.dma_semaphore, #tpu.memory_space<semaphore_mem>>
          %dma_start3A = arith.constant 0 : i32
          %dma_start3A_53 = arith.constant 0 : i32
          %dma_start3A_54 = tpu.memref_slice %arg9[%dma_start3A, %dma_start3A_53] : memref<10000x128xf32, #tpu.memory_space<vmem_shared>> -> memref<10000x128xf32, #tpu.memory_space<vmem_shared>>
          tpu.enqueue_indirect_dma source(%arg13 : memref<80x128xf32, #tpu.memory_space<vmem>>) target(%dma_start3A_54 : memref<10000x128xf32, #tpu.memory_space<vmem_shared>>) offsets(%arg15 : memref<80xi32, #tpu.memory_space<vmem>>) semaphore(%run_scoped3A : memref<!tpu.dma_semaphore, #tpu.memory_space<semaphore_mem>>) {add = true}
          %dma_wait3A = arith.constant 0 : i32
          %dma_wait3A_55 = arith.constant 0 : i32
          %dma_wait3A_56 = tpu.memref_slice %arg9[%dma_wait3A, %dma_wait3A_55] : memref<10000x128xf32, #tpu.memory_space<vmem_shared>> -> memref<10000x128xf32, #tpu.memory_space<vmem_shared>>
          tpu.wait_indirect_dma semaphore(%run_scoped3A : memref<!tpu.dma_semaphore, #tpu.memory_space<semaphore_mem>>) src(%arg13 : memref<80x128xf32, #tpu.memory_space<vmem>>) dst(%dma_wait3A_56 : memref<10000x128xf32, #tpu.memory_space<vmem_shared>>)
          tpu.yield
        }) : () -> ()
        "tpu.region"() ({
          %run_scoped3A = tpu.sem_alloc : memref<!tpu.dma_semaphore, #tpu.memory_space<semaphore_mem>>
          %dma_start3A = arith.constant 0 : i32
          %dma_start3A_53 = arith.constant 0 : i32
          %dma_start3A_54 = tpu.memref_slice %arg10[%dma_start3A, %dma_start3A_53] : memref<10000x16xf32, #tpu.memory_space<vmem_shared>> -> memref<10000x16xf32, #tpu.memory_space<vmem_shared>>
          tpu.enqueue_indirect_dma source(%arg16 : memref<80x16xf32, #tpu.memory_space<vmem>>) target(%dma_start3A_54 : memref<10000x16xf32, #tpu.memory_space<vmem_shared>>) offsets(%arg15 : memref<80xi32, #tpu.memory_space<vmem>>) semaphore(%run_scoped3A : memref<!tpu.dma_semaphore, #tpu.memory_space<semaphore_mem>>) {add = true}
          %dma_wait3A = arith.constant 0 : i32
          %dma_wait3A_55 = arith.constant 0 : i32
          %dma_wait3A_56 = tpu.memref_slice %arg10[%dma_wait3A, %dma_wait3A_55] : memref<10000x16xf32, #tpu.memory_space<vmem_shared>> -> memref<10000x16xf32, #tpu.memory_space<vmem_shared>>
          tpu.wait_indirect_dma semaphore(%run_scoped3A : memref<!tpu.dma_semaphore, #tpu.memory_space<semaphore_mem>>) src(%arg16 : memref<80x16xf32, #tpu.memory_space<vmem>>) dst(%dma_wait3A_56 : memref<10000x16xf32, #tpu.memory_space<vmem_shared>>)
          tpu.yield
        }) : () -> ()
      }
      %scan3A_45 = arith.constant 125 : i32
    } else {
    }
    %barrier3A_30 = arith.constant 0 : index
    tpu.barrier barrier_id(%barrier3A_30)
    %eq3A_31 = arith.constant 0 : i32
    %eq3A_32 = arith.cmpi eq, %arg0, %eq3A_31 : i32
    %convert_element_type3A_33 = arith.extui %eq3A_32 : i1 to i32
    %cond3A_34 = arith.constant 0 : i32
    %cond3A_35 = arith.cmpi ne, %convert_element_type3A_33, %cond3A_34 : i32
    scf.if %cond3A_35 {
      %scan3A_41 = arith.constant 0 : i32
      %scan3A_42 = arith.constant 5 : i32
      %scan3A_43 = arith.addi %scan3A_41, %scan3A_42 : i32
      %scan3A_44 = arith.constant 1 : i32
      scf.for %scan3A_51 = %scan3A_41 to %scan3A_43 step %scan3A_44  : i32 {
        %mul3A_52 = arith.constant 1 : i32
        %mul3A_53 = arith.muli %scan3A_51, %mul3A_52 : i32
        %add3A = arith.constant 0 : i32
        %add3A_54 = arith.addi %add3A, %mul3A_53 : i32
        %mul3A_55 = arith.constant 125 : i32
        %mul3A_56 = arith.muli %add3A_54, %mul3A_55 : i32
        %add3A_57 = arith.addi %mul3A_10, %mul3A_56 : i32
        "tpu.region"() ({
          %run_scoped3A = tpu.sem_alloc : memref<!tpu.dma_semaphore, #tpu.memory_space<semaphore_mem>>
          %dma_start3A = arith.constant 0 : i32
          %dma_start3A_58 = tpu.memref_slice %arg9[%add3A_57, %dma_start3A] : memref<10000x128xf32, #tpu.memory_space<vmem_shared>> -> memref<125x128xf32, #tpu.memory_space<vmem_shared>>
          %dma_start3A_59 = arith.constant 0 : i32
          %dma_start3A_60 = tpu.memref_slice %arg9[%add3A_57, %dma_start3A_59] : memref<10000x128xf32, #tpu.memory_space<vmem_shared>> -> memref<125x128xf32, #tpu.memory_space<vmem_shared>>
          tpu.enqueue_dma source(%dma_start3A_60 : memref<125x128xf32, #tpu.memory_space<vmem_shared>>) target(%arg11 : memref<125x128xf32, #tpu.memory_space<vmem>>) target_semaphore(%run_scoped3A : memref<!tpu.dma_semaphore, #tpu.memory_space<semaphore_mem>>)
          %dma_wait3A = arith.constant 0 : i32
          %dma_wait3A_61 = tpu.memref_slice %arg9[%add3A_57, %dma_wait3A] : memref<10000x128xf32, #tpu.memory_space<vmem_shared>> -> memref<125x128xf32, #tpu.memory_space<vmem_shared>>
          %dma_wait3A_62 = arith.constant 0 : i32
          %dma_wait3A_63 = tpu.memref_slice %arg9[%add3A_57, %dma_wait3A_62] : memref<10000x128xf32, #tpu.memory_space<vmem_shared>> -> memref<125x128xf32, #tpu.memory_space<vmem_shared>>
          tpu.wait_dma2 semaphore(%run_scoped3A : memref<!tpu.dma_semaphore, #tpu.memory_space<semaphore_mem>>) src(%dma_wait3A_63 : memref<125x128xf32, #tpu.memory_space<vmem_shared>>) dst(%arg11 : memref<125x128xf32, #tpu.memory_space<vmem>>)
          tpu.yield
        }) : () -> ()
        "tpu.region"() ({
          %run_scoped3A = tpu.sem_alloc : memref<!tpu.dma_semaphore, #tpu.memory_space<semaphore_mem>>
          %dma_start3A = arith.constant 0 : i32
          %dma_start3A_58 = tpu.memref_slice %arg6[%add3A_57, %dma_start3A] : memref<10000x128xf32, #tpu.memory_space<hbm>> -> memref<125x128xf32, #tpu.memory_space<hbm>>
          %dma_start3A_59 = arith.constant 0 : i32
          %dma_start3A_60 = tpu.memref_slice %arg6[%add3A_57, %dma_start3A_59] : memref<10000x128xf32, #tpu.memory_space<hbm>> -> memref<125x128xf32, #tpu.memory_space<hbm>>
          tpu.enqueue_dma source(%arg11 : memref<125x128xf32, #tpu.memory_space<vmem>>) target(%dma_start3A_60 : memref<125x128xf32, #tpu.memory_space<hbm>>) target_semaphore(%run_scoped3A : memref<!tpu.dma_semaphore, #tpu.memory_space<semaphore_mem>>)
          %dma_wait3A = arith.constant 0 : i32
          %dma_wait3A_61 = tpu.memref_slice %arg6[%add3A_57, %dma_wait3A] : memref<10000x128xf32, #tpu.memory_space<hbm>> -> memref<125x128xf32, #tpu.memory_space<hbm>>
          %dma_wait3A_62 = arith.constant 0 : i32
          %dma_wait3A_63 = tpu.memref_slice %arg6[%add3A_57, %dma_wait3A_62] : memref<10000x128xf32, #tpu.memory_space<hbm>> -> memref<125x128xf32, #tpu.memory_space<hbm>>
          tpu.wait_dma2 semaphore(%run_scoped3A : memref<!tpu.dma_semaphore, #tpu.memory_space<semaphore_mem>>) src(%arg11 : memref<125x128xf32, #tpu.memory_space<vmem>>) dst(%dma_wait3A_63 : memref<125x128xf32, #tpu.memory_space<hbm>>)
          tpu.yield
        }) : () -> ()
      }
      %scan3A_45 = arith.constant 5 : i32
      %scan3A_46 = arith.constant 0 : i32
      %scan3A_47 = arith.constant 5 : i32
      %scan3A_48 = arith.addi %scan3A_46, %scan3A_47 : i32
      %scan3A_49 = arith.constant 1 : i32
      scf.for %scan3A_51 = %scan3A_46 to %scan3A_48 step %scan3A_49  : i32 {
        %mul3A_52 = arith.constant 1 : i32
        %mul3A_53 = arith.muli %scan3A_51, %mul3A_52 : i32
        %add3A = arith.constant 0 : i32
        %add3A_54 = arith.addi %add3A, %mul3A_53 : i32
        %mul3A_55 = arith.constant 125 : i32
        %mul3A_56 = arith.muli %add3A_54, %mul3A_55 : i32
        %add3A_57 = arith.addi %mul3A_10, %mul3A_56 : i32
        "tpu.region"() ({
          %run_scoped3A = tpu.sem_alloc : memref<!tpu.dma_semaphore, #tpu.memory_space<semaphore_mem>>
          %dma_start3A = arith.constant 0 : i32
          %dma_start3A_58 = tpu.memref_slice %arg10[%add3A_57, %dma_start3A] : memref<10000x16xf32, #tpu.memory_space<vmem_shared>> -> memref<125x16xf32, #tpu.memory_space<vmem_shared>>
          %dma_start3A_59 = arith.constant 0 : i32
          %dma_start3A_60 = tpu.memref_slice %arg10[%add3A_57, %dma_start3A_59] : memref<10000x16xf32, #tpu.memory_space<vmem_shared>> -> memref<125x16xf32, #tpu.memory_space<vmem_shared>>
          tpu.enqueue_dma source(%dma_start3A_60 : memref<125x16xf32, #tpu.memory_space<vmem_shared>>) target(%arg12 : memref<125x16xf32, #tpu.memory_space<vmem>>) target_semaphore(%run_scoped3A : memref<!tpu.dma_semaphore, #tpu.memory_space<semaphore_mem>>)
          %dma_wait3A = arith.constant 0 : i32
          %dma_wait3A_61 = tpu.memref_slice %arg10[%add3A_57, %dma_wait3A] : memref<10000x16xf32, #tpu.memory_space<vmem_shared>> -> memref<125x16xf32, #tpu.memory_space<vmem_shared>>
          %dma_wait3A_62 = arith.constant 0 : i32
          %dma_wait3A_63 = tpu.memref_slice %arg10[%add3A_57, %dma_wait3A_62] : memref<10000x16xf32, #tpu.memory_space<vmem_shared>> -> memref<125x16xf32, #tpu.memory_space<vmem_shared>>
          tpu.wait_dma2 semaphore(%run_scoped3A : memref<!tpu.dma_semaphore, #tpu.memory_space<semaphore_mem>>) src(%dma_wait3A_63 : memref<125x16xf32, #tpu.memory_space<vmem_shared>>) dst(%arg12 : memref<125x16xf32, #tpu.memory_space<vmem>>)
          tpu.yield
        }) : () -> ()
        "tpu.region"() ({
          %run_scoped3A = tpu.sem_alloc : memref<!tpu.dma_semaphore, #tpu.memory_space<semaphore_mem>>
          %dma_start3A = arith.constant 0 : i32
          %dma_start3A_58 = tpu.memref_slice %arg8[%add3A_57, %dma_start3A] : memref<10000x16xf32, #tpu.memory_space<hbm>> -> memref<125x16xf32, #tpu.memory_space<hbm>>
          %dma_start3A_59 = arith.constant 0 : i32
          %dma_start3A_60 = tpu.memref_slice %arg8[%add3A_57, %dma_start3A_59] : memref<10000x16xf32, #tpu.memory_space<hbm>> -> memref<125x16xf32, #tpu.memory_space<hbm>>
          tpu.enqueue_dma source(%arg12 : memref<125x16xf32, #tpu.memory_space<vmem>>) target(%dma_start3A_60 : memref<125x16xf32, #tpu.memory_space<hbm>>) target_semaphore(%run_scoped3A : memref<!tpu.dma_semaphore, #tpu.memory_space<semaphore_mem>>)
          %dma_wait3A = arith.constant 0 : i32
          %dma_wait3A_61 = tpu.memref_slice %arg8[%add3A_57, %dma_wait3A] : memref<10000x16xf32, #tpu.memory_space<hbm>> -> memref<125x16xf32, #tpu.memory_space<hbm>>
          %dma_wait3A_62 = arith.constant 0 : i32
          %dma_wait3A_63 = tpu.memref_slice %arg8[%add3A_57, %dma_wait3A_62] : memref<10000x16xf32, #tpu.memory_space<hbm>> -> memref<125x16xf32, #tpu.memory_space<hbm>>
          tpu.wait_dma2 semaphore(%run_scoped3A : memref<!tpu.dma_semaphore, #tpu.memory_space<semaphore_mem>>) src(%arg12 : memref<125x16xf32, #tpu.memory_space<vmem>>) dst(%dma_wait3A_63 : memref<125x16xf32, #tpu.memory_space<hbm>>)
          tpu.yield
        }) : () -> ()
      }
      %scan3A_50 = arith.constant 5 : i32
    } else {
    }
    %eq3A_36 = arith.constant 1 : i32
    %eq3A_37 = arith.cmpi eq, %arg0, %eq3A_36 : i32
    %convert_element_type3A_38 = arith.extui %eq3A_37 : i1 to i32
    %cond3A_39 = arith.constant 0 : i32
    %cond3A_40 = arith.cmpi ne, %convert_element_type3A_38, %cond3A_39 : i32
    scf.if %cond3A_40 {
      %scan3A_41 = arith.constant 0 : i32
      %scan3A_42 = arith.constant 5 : i32
      %scan3A_43 = arith.addi %scan3A_41, %scan3A_42 : i32
      %scan3A_44 = arith.constant 1 : i32
      scf.for %scan3A_46 = %scan3A_41 to %scan3A_43 step %scan3A_44  : i32 {
        %mul3A_47 = arith.constant 1 : i32
        %mul3A_48 = arith.muli %scan3A_46, %mul3A_47 : i32
        %add3A = arith.constant 0 : i32
        %add3A_49 = arith.addi %add3A, %mul3A_48 : i32
        %mul3A_50 = arith.constant 125 : i32
        %mul3A_51 = arith.muli %add3A_49, %mul3A_50 : i32
        %add3A_52 = arith.addi %mul3A_10, %mul3A_51 : i32
        "tpu.region"() ({
          %run_scoped3A = tpu.sem_alloc : memref<!tpu.dma_semaphore, #tpu.memory_space<semaphore_mem>>
          %dma_start3A = arith.constant 0 : i32
          %dma_start3A_53 = tpu.memref_slice %arg9[%add3A_52, %dma_start3A] : memref<10000x128xf32, #tpu.memory_space<vmem_shared>> -> memref<125x128xf32, #tpu.memory_space<vmem_shared>>
          %dma_start3A_54 = arith.constant 0 : i32
          %dma_start3A_55 = tpu.memref_slice %arg9[%add3A_52, %dma_start3A_54] : memref<10000x128xf32, #tpu.memory_space<vmem_shared>> -> memref<125x128xf32, #tpu.memory_space<vmem_shared>>
          tpu.enqueue_dma source(%dma_start3A_55 : memref<125x128xf32, #tpu.memory_space<vmem_shared>>) target(%arg11 : memref<125x128xf32, #tpu.memory_space<vmem>>) target_semaphore(%run_scoped3A : memref<!tpu.dma_semaphore, #tpu.memory_space<semaphore_mem>>)
          %dma_wait3A = arith.constant 0 : i32
          %dma_wait3A_56 = tpu.memref_slice %arg9[%add3A_52, %dma_wait3A] : memref<10000x128xf32, #tpu.memory_space<vmem_shared>> -> memref<125x128xf32, #tpu.memory_space<vmem_shared>>
          %dma_wait3A_57 = arith.constant 0 : i32
          %dma_wait3A_58 = tpu.memref_slice %arg9[%add3A_52, %dma_wait3A_57] : memref<10000x128xf32, #tpu.memory_space<vmem_shared>> -> memref<125x128xf32, #tpu.memory_space<vmem_shared>>
          tpu.wait_dma2 semaphore(%run_scoped3A : memref<!tpu.dma_semaphore, #tpu.memory_space<semaphore_mem>>) src(%dma_wait3A_58 : memref<125x128xf32, #tpu.memory_space<vmem_shared>>) dst(%arg11 : memref<125x128xf32, #tpu.memory_space<vmem>>)
          tpu.yield
        }) : () -> ()
        "tpu.region"() ({
          %run_scoped3A = tpu.sem_alloc : memref<!tpu.dma_semaphore, #tpu.memory_space<semaphore_mem>>
          %dma_start3A = arith.constant 0 : i32
          %dma_start3A_53 = tpu.memref_slice %arg7[%add3A_52, %dma_start3A] : memref<10000x128xf32, #tpu.memory_space<hbm>> -> memref<125x128xf32, #tpu.memory_space<hbm>>
          %dma_start3A_54 = arith.constant 0 : i32
          %dma_start3A_55 = tpu.memref_slice %arg7[%add3A_52, %dma_start3A_54] : memref<10000x128xf32, #tpu.memory_space<hbm>> -> memref<125x128xf32, #tpu.memory_space<hbm>>
          tpu.enqueue_dma source(%arg11 : memref<125x128xf32, #tpu.memory_space<vmem>>) target(%dma_start3A_55 : memref<125x128xf32, #tpu.memory_space<hbm>>) target_semaphore(%run_scoped3A : memref<!tpu.dma_semaphore, #tpu.memory_space<semaphore_mem>>)
          %dma_wait3A = arith.constant 0 : i32
          %dma_wait3A_56 = tpu.memref_slice %arg7[%add3A_52, %dma_wait3A] : memref<10000x128xf32, #tpu.memory_space<hbm>> -> memref<125x128xf32, #tpu.memory_space<hbm>>
          %dma_wait3A_57 = arith.constant 0 : i32
          %dma_wait3A_58 = tpu.memref_slice %arg7[%add3A_52, %dma_wait3A_57] : memref<10000x128xf32, #tpu.memory_space<hbm>> -> memref<125x128xf32, #tpu.memory_space<hbm>>
          tpu.wait_dma2 semaphore(%run_scoped3A : memref<!tpu.dma_semaphore, #tpu.memory_space<semaphore_mem>>) src(%arg11 : memref<125x128xf32, #tpu.memory_space<vmem>>) dst(%dma_wait3A_58 : memref<125x128xf32, #tpu.memory_space<hbm>>)
          tpu.yield
        }) : () -> ()
      }
      %scan3A_45 = arith.constant 5 : i32
    } else {
    }
    return
  }
}

#map = affine_map<(d0, d1) -> (0, 0)>
#map1 = affine_map<(d0, d1) -> (0)>
module attributes {stable_mosaic.version = 14 : i64} {
  func.func @_sc_seg_body(%arg0: i32, %arg1: i32, %arg2: memref<10000x128xf32, #tpu.memory_space<hbm>>, %arg3: memref<10000x128xf32, #tpu.memory_space<hbm>>, %arg4: memref<160000xi32, #tpu.memory_space<hbm>>, %arg5: memref<160000xi32, #tpu.memory_space<hbm>>, %arg6: memref<10000x128xf32, #tpu.memory_space<hbm>>, %arg7: memref<10000x128xf32, #tpu.memory_space<hbm>>, %arg8: memref<10000x16xf32, #tpu.memory_space<hbm>>, %arg9: memref<10000x128xf32, #tpu.memory_space<vmem_shared>>, %arg10: memref<10000x16xf32, #tpu.memory_space<vmem_shared>>, %arg11: memref<125x128xf32, #tpu.memory_space<vmem>>, %arg12: memref<125x16xf32, #tpu.memory_space<vmem>>, %arg13: memref<80x128xf32, #tpu.memory_space<vmem>>, %arg14: memref<80xi32, #tpu.memory_space<vmem>>, %arg15: memref<80xi32, #tpu.memory_space<vmem>>, %arg16: memref<80x16xf32, #tpu.memory_space<vmem>>) attributes {dimension_semantics = [#tpu.dimension_semantics<core_parallel>, #tpu.dimension_semantics<subcore_parallel>], iteration_bounds = array<i64: 2, 16>, scalar_prefetch = 0 : i64, scratch_operands = 8 : i64, tpu.core_type = #tpu.core_type<sc_vector_subcore>, window_params = [{transform_indices = #map}, {transform_indices = #map}, {transform_indices = #map1}, {transform_indices = #map1}, {transform_indices = #map}, {transform_indices = #map}, {transform_indices = #map}]} {
    %broadcast_in_dim3A = arith.constant 0.000000e+00 : f32
    %broadcast_in_dim3A_0 = vector.broadcast %broadcast_in_dim3A : f32 to vector<16xf32>
    %scan3A = arith.constant 0 : i32
    %scan3A_1 = arith.constant 125 : i32
    %scan3A_2 = arith.addi %scan3A, %scan3A_1 : i32
    %scan3A_3 = arith.constant 1 : i32
    scf.for %scan3A_41 = %scan3A to %scan3A_2 step %scan3A_3  : i32 {
      %mul3A_42 = arith.constant 1 : i32
      %mul3A_43 = arith.muli %scan3A_41, %mul3A_42 : i32
      %add3A = arith.constant 0 : i32
      %add3A_44 = arith.addi %add3A, %mul3A_43 : i32
      %swap3A = arith.index_cast %add3A_44 : i32 to index
      %swap3A_45 = arith.constant 0 : index
      %swap3A_46 = tpu.vector_load %arg11[%swap3A, %swap3A_45] {strides = array<i32>} : memref<125x128xf32, #tpu.memory_space<vmem>>, vector<1x16xf32>,
      %swap3A_47 = vector.shape_cast %swap3A_46 : vector<1x16xf32> to vector<16xf32>
      %swap3A_48 = vector.shape_cast %broadcast_in_dim3A_0 : vector<16xf32> to vector<1x16xf32>
      tpu.vector_store %arg11[%swap3A, %swap3A_45], %swap3A_48 {strides = array<i32>} : memref<125x128xf32, #tpu.memory_space<vmem>>, vector<1x16xf32>,
      %swap3A_49 = arith.index_cast %add3A_44 : i32 to index
      %swap3A_50 = arith.constant 16 : index
      %swap3A_51 = tpu.vector_load %arg11[%swap3A_49, %swap3A_50] {strides = array<i32>} : memref<125x128xf32, #tpu.memory_space<vmem>>, vector<1x16xf32>,
      %swap3A_52 = vector.shape_cast %swap3A_51 : vector<1x16xf32> to vector<16xf32>
      %swap3A_53 = vector.shape_cast %broadcast_in_dim3A_0 : vector<16xf32> to vector<1x16xf32>
      tpu.vector_store %arg11[%swap3A_49, %swap3A_50], %swap3A_53 {strides = array<i32>} : memref<125x128xf32, #tpu.memory_space<vmem>>, vector<1x16xf32>,
      %swap3A_54 = arith.index_cast %add3A_44 : i32 to index
      %swap3A_55 = arith.constant 32 : index
      %swap3A_56 = tpu.vector_load %arg11[%swap3A_54, %swap3A_55] {strides = array<i32>} : memref<125x128xf32, #tpu.memory_space<vmem>>, vector<1x16xf32>,
      %swap3A_57 = vector.shape_cast %swap3A_56 : vector<1x16xf32> to vector<16xf32>
      %swap3A_58 = vector.shape_cast %broadcast_in_dim3A_0 : vector<16xf32> to vector<1x16xf32>
      tpu.vector_store %arg11[%swap3A_54, %swap3A_55], %swap3A_58 {strides = array<i32>} : memref<125x128xf32, #tpu.memory_space<vmem>>, vector<1x16xf32>,
      %swap3A_59 = arith.index_cast %add3A_44 : i32 to index
      %swap3A_60 = arith.constant 48 : index
      %swap3A_61 = tpu.vector_load %arg11[%swap3A_59, %swap3A_60] {strides = array<i32>} : memref<125x128xf32, #tpu.memory_space<vmem>>, vector<1x16xf32>,
      %swap3A_62 = vector.shape_cast %swap3A_61 : vector<1x16xf32> to vector<16xf32>
      %swap3A_63 = vector.shape_cast %broadcast_in_dim3A_0 : vector<16xf32> to vector<1x16xf32>
      tpu.vector_store %arg11[%swap3A_59, %swap3A_60], %swap3A_63 {strides = array<i32>} : memref<125x128xf32, #tpu.memory_space<vmem>>, vector<1x16xf32>,
      %swap3A_64 = arith.index_cast %add3A_44 : i32 to index
      %swap3A_65 = arith.constant 64 : index
      %swap3A_66 = tpu.vector_load %arg11[%swap3A_64, %swap3A_65] {strides = array<i32>} : memref<125x128xf32, #tpu.memory_space<vmem>>, vector<1x16xf32>,
      %swap3A_67 = vector.shape_cast %swap3A_66 : vector<1x16xf32> to vector<16xf32>
      %swap3A_68 = vector.shape_cast %broadcast_in_dim3A_0 : vector<16xf32> to vector<1x16xf32>
      tpu.vector_store %arg11[%swap3A_64, %swap3A_65], %swap3A_68 {strides = array<i32>} : memref<125x128xf32, #tpu.memory_space<vmem>>, vector<1x16xf32>,
      %swap3A_69 = arith.index_cast %add3A_44 : i32 to index
      %swap3A_70 = arith.constant 80 : index
      %swap3A_71 = tpu.vector_load %arg11[%swap3A_69, %swap3A_70] {strides = array<i32>} : memref<125x128xf32, #tpu.memory_space<vmem>>, vector<1x16xf32>,
      %swap3A_72 = vector.shape_cast %swap3A_71 : vector<1x16xf32> to vector<16xf32>
      %swap3A_73 = vector.shape_cast %broadcast_in_dim3A_0 : vector<16xf32> to vector<1x16xf32>
      tpu.vector_store %arg11[%swap3A_69, %swap3A_70], %swap3A_73 {strides = array<i32>} : memref<125x128xf32, #tpu.memory_space<vmem>>, vector<1x16xf32>,
      %swap3A_74 = arith.index_cast %add3A_44 : i32 to index
      %swap3A_75 = arith.constant 96 : index
      %swap3A_76 = tpu.vector_load %arg11[%swap3A_74, %swap3A_75] {strides = array<i32>} : memref<125x128xf32, #tpu.memory_space<vmem>>, vector<1x16xf32>,
      %swap3A_77 = vector.shape_cast %swap3A_76 : vector<1x16xf32> to vector<16xf32>
      %swap3A_78 = vector.shape_cast %broadcast_in_dim3A_0 : vector<16xf32> to vector<1x16xf32>
      tpu.vector_store %arg11[%swap3A_74, %swap3A_75], %swap3A_78 {strides = array<i32>} : memref<125x128xf32, #tpu.memory_space<vmem>>, vector<1x16xf32>,
      %swap3A_79 = arith.index_cast %add3A_44 : i32 to index
      %swap3A_80 = arith.constant 112 : index
      %swap3A_81 = tpu.vector_load %arg11[%swap3A_79, %swap3A_80] {strides = array<i32>} : memref<125x128xf32, #tpu.memory_space<vmem>>, vector<1x16xf32>,
      %swap3A_82 = vector.shape_cast %swap3A_81 : vector<1x16xf32> to vector<16xf32>
      %swap3A_83 = vector.shape_cast %broadcast_in_dim3A_0 : vector<16xf32> to vector<1x16xf32>
      tpu.vector_store %arg11[%swap3A_79, %swap3A_80], %swap3A_83 {strides = array<i32>} : memref<125x128xf32, #tpu.memory_space<vmem>>, vector<1x16xf32>,
      %swap3A_84 = arith.index_cast %add3A_44 : i32 to index
      %swap3A_85 = arith.constant 0 : index
      %swap3A_86 = tpu.vector_load %arg12[%swap3A_84, %swap3A_85] {strides = array<i32>} : memref<125x16xf32, #tpu.memory_space<vmem>>, vector<1x16xf32>,
      %swap3A_87 = vector.shape_cast %swap3A_86 : vector<1x16xf32> to vector<16xf32>
      %swap3A_88 = vector.shape_cast %broadcast_in_dim3A_0 : vector<16xf32> to vector<1x16xf32>
      tpu.vector_store %arg12[%swap3A_84, %swap3A_85], %swap3A_88 {strides = array<i32>} : memref<125x16xf32, #tpu.memory_space<vmem>>, vector<1x16xf32>,
    }
    %scan3A_4 = arith.constant 125 : i32
    %scan3A_5 = arith.constant 0 : i32
    %scan3A_6 = arith.constant 80 : i32
    %scan3A_7 = arith.addi %scan3A_5, %scan3A_6 : i32
    %scan3A_8 = arith.constant 1 : i32
    scf.for %scan3A_41 = %scan3A_5 to %scan3A_7 step %scan3A_8  : i32 {
      %mul3A_42 = arith.constant 1 : i32
      %mul3A_43 = arith.muli %scan3A_41, %mul3A_42 : i32
      %add3A = arith.constant 0 : i32
      %add3A_44 = arith.addi %add3A, %mul3A_43 : i32
      %broadcast_in_dim3A_45 = arith.constant 1.000000e+00 : f32
      %broadcast_in_dim3A_46 = vector.broadcast %broadcast_in_dim3A_45 : f32 to vector<16xf32>
      %swap3A = arith.index_cast %add3A_44 : i32 to index
      %swap3A_47 = arith.constant 0 : index
      %swap3A_48 = tpu.vector_load %arg16[%swap3A, %swap3A_47] {strides = array<i32>} : memref<80x16xf32, #tpu.memory_space<vmem>>, vector<1x16xf32>,
      %swap3A_49 = vector.shape_cast %swap3A_48 : vector<1x16xf32> to vector<16xf32>
      %swap3A_50 = vector.shape_cast %broadcast_in_dim3A_46 : vector<16xf32> to vector<1x16xf32>
      tpu.vector_store %arg16[%swap3A, %swap3A_47], %swap3A_50 {strides = array<i32>} : memref<80x16xf32, #tpu.memory_space<vmem>>, vector<1x16xf32>,
    }
    %scan3A_9 = arith.constant 80 : i32
    %mul3A = arith.constant 625 : i32
    %mul3A_10 = arith.muli %arg1, %mul3A : i32
    %scan3A_11 = arith.constant 0 : i32
    %scan3A_12 = arith.constant 5 : i32
    %scan3A_13 = arith.addi %scan3A_11, %scan3A_12 : i32
    %scan3A_14 = arith.constant 1 : i32
    scf.for %scan3A_41 = %scan3A_11 to %scan3A_13 step %scan3A_14  : i32 {
      %mul3A_42 = arith.constant 1 : i32
      %mul3A_43 = arith.muli %scan3A_41, %mul3A_42 : i32
      %add3A = arith.constant 0 : i32
      %add3A_44 = arith.addi %add3A, %mul3A_43 : i32
      %mul3A_45 = arith.constant 125 : i32
      %mul3A_46 = arith.muli %add3A_44, %mul3A_45 : i32
      %add3A_47 = arith.addi %mul3A_10, %mul3A_46 : i32
      "tpu.region"() ({
        %run_scoped3A = tpu.sem_alloc : memref<!tpu.dma_semaphore, #tpu.memory_space<semaphore_mem>>
        %dma_start3A = arith.constant 0 : i32
        %dma_start3A_48 = tpu.memref_slice %arg9[%add3A_47, %dma_start3A] : memref<10000x128xf32, #tpu.memory_space<vmem_shared>> -> memref<125x128xf32, #tpu.memory_space<vmem_shared>>
        %dma_start3A_49 = arith.constant 0 : i32
        %dma_start3A_50 = tpu.memref_slice %arg9[%add3A_47, %dma_start3A_49] : memref<10000x128xf32, #tpu.memory_space<vmem_shared>> -> memref<125x128xf32, #tpu.memory_space<vmem_shared>>
        tpu.enqueue_dma source(%arg11 : memref<125x128xf32, #tpu.memory_space<vmem>>) target(%dma_start3A_50 : memref<125x128xf32, #tpu.memory_space<vmem_shared>>) target_semaphore(%run_scoped3A : memref<!tpu.dma_semaphore, #tpu.memory_space<semaphore_mem>>)
        %dma_wait3A = arith.constant 0 : i32
        %dma_wait3A_51 = tpu.memref_slice %arg9[%add3A_47, %dma_wait3A] : memref<10000x128xf32, #tpu.memory_space<vmem_shared>> -> memref<125x128xf32, #tpu.memory_space<vmem_shared>>
        %dma_wait3A_52 = arith.constant 0 : i32
        %dma_wait3A_53 = tpu.memref_slice %arg9[%add3A_47, %dma_wait3A_52] : memref<10000x128xf32, #tpu.memory_space<vmem_shared>> -> memref<125x128xf32, #tpu.memory_space<vmem_shared>>
        tpu.wait_dma2 semaphore(%run_scoped3A : memref<!tpu.dma_semaphore, #tpu.memory_space<semaphore_mem>>) src(%arg11 : memref<125x128xf32, #tpu.memory_space<vmem>>) dst(%dma_wait3A_53 : memref<125x128xf32, #tpu.memory_space<vmem_shared>>)
        tpu.yield
      }) : () -> ()
    }
    %scan3A_15 = arith.constant 5 : i32
    %scan3A_16 = arith.constant 0 : i32
    %scan3A_17 = arith.constant 5 : i32
    %scan3A_18 = arith.addi %scan3A_16, %scan3A_17 : i32
    %scan3A_19 = arith.constant 1 : i32
    scf.for %scan3A_41 = %scan3A_16 to %scan3A_18 step %scan3A_19  : i32 {
      %mul3A_42 = arith.constant 1 : i32
      %mul3A_43 = arith.muli %scan3A_41, %mul3A_42 : i32
      %add3A = arith.constant 0 : i32
      %add3A_44 = arith.addi %add3A, %mul3A_43 : i32
      %mul3A_45 = arith.constant 125 : i32
      %mul3A_46 = arith.muli %add3A_44, %mul3A_45 : i32
      %add3A_47 = arith.addi %mul3A_10, %mul3A_46 : i32
      "tpu.region"() ({
        %run_scoped3A = tpu.sem_alloc : memref<!tpu.dma_semaphore, #tpu.memory_space<semaphore_mem>>
        %dma_start3A = arith.constant 0 : i32
        %dma_start3A_48 = tpu.memref_slice %arg10[%add3A_47, %dma_start3A] : memref<10000x16xf32, #tpu.memory_space<vmem_shared>> -> memref<125x16xf32, #tpu.memory_space<vmem_shared>>
        %dma_start3A_49 = arith.constant 0 : i32
        %dma_start3A_50 = tpu.memref_slice %arg10[%add3A_47, %dma_start3A_49] : memref<10000x16xf32, #tpu.memory_space<vmem_shared>> -> memref<125x16xf32, #tpu.memory_space<vmem_shared>>
        tpu.enqueue_dma source(%arg12 : memref<125x16xf32, #tpu.memory_space<vmem>>) target(%dma_start3A_50 : memref<125x16xf32, #tpu.memory_space<vmem_shared>>) target_semaphore(%run_scoped3A : memref<!tpu.dma_semaphore, #tpu.memory_space<semaphore_mem>>)
        %dma_wait3A = arith.constant 0 : i32
        %dma_wait3A_51 = tpu.memref_slice %arg10[%add3A_47, %dma_wait3A] : memref<10000x16xf32, #tpu.memory_space<vmem_shared>> -> memref<125x16xf32, #tpu.memory_space<vmem_shared>>
        %dma_wait3A_52 = arith.constant 0 : i32
        %dma_wait3A_53 = tpu.memref_slice %arg10[%add3A_47, %dma_wait3A_52] : memref<10000x16xf32, #tpu.memory_space<vmem_shared>> -> memref<125x16xf32, #tpu.memory_space<vmem_shared>>
        tpu.wait_dma2 semaphore(%run_scoped3A : memref<!tpu.dma_semaphore, #tpu.memory_space<semaphore_mem>>) src(%arg12 : memref<125x16xf32, #tpu.memory_space<vmem>>) dst(%dma_wait3A_53 : memref<125x16xf32, #tpu.memory_space<vmem_shared>>)
        tpu.yield
      }) : () -> ()
    }
    %scan3A_20 = arith.constant 5 : i32
    %barrier3A = arith.constant 0 : index
    tpu.barrier barrier_id(%barrier3A)
    %mul3A_21 = arith.constant 10000 : i32
    %mul3A_22 = arith.muli %arg1, %mul3A_21 : i32
    %eq3A = arith.constant 0 : i32
    %eq3A_23 = arith.cmpi eq, %arg0, %eq3A : i32
    %convert_element_type3A = arith.extui %eq3A_23 : i1 to i32
    %cond3A = arith.constant 0 : i32
    %cond3A_24 = arith.cmpi ne, %convert_element_type3A, %cond3A : i32
    scf.if %cond3A_24 {
      %scan3A_41 = arith.constant 0 : i32
      %scan3A_42 = arith.constant 125 : i32
      %scan3A_43 = arith.addi %scan3A_41, %scan3A_42 : i32
      %scan3A_44 = arith.constant 1 : i32
      scf.for %scan3A_46 = %scan3A_41 to %scan3A_43 step %scan3A_44  : i32 {
        %mul3A_47 = arith.constant 1 : i32
        %mul3A_48 = arith.muli %scan3A_46, %mul3A_47 : i32
        %add3A = arith.constant 0 : i32
        %add3A_49 = arith.addi %add3A, %mul3A_48 : i32
        %mul3A_50 = arith.constant 80 : i32
        %mul3A_51 = arith.muli %add3A_49, %mul3A_50 : i32
        %add3A_52 = arith.addi %mul3A_22, %mul3A_51 : i32
        "tpu.region"() ({
          %run_scoped3A = tpu.sem_alloc : memref<!tpu.dma_semaphore, #tpu.memory_space<semaphore_mem>>
          %dma_start3A = tpu.memref_slice %arg4[%add3A_52] : memref<160000xi32, #tpu.memory_space<hbm>> -> memref<80xi32, #tpu.memory_space<hbm>>
          %dma_start3A_53 = tpu.memref_slice %arg4[%add3A_52] : memref<160000xi32, #tpu.memory_space<hbm>> -> memref<80xi32, #tpu.memory_space<hbm>>
          tpu.enqueue_dma source(%dma_start3A_53 : memref<80xi32, #tpu.memory_space<hbm>>) target(%arg14 : memref<80xi32, #tpu.memory_space<vmem>>) target_semaphore(%run_scoped3A : memref<!tpu.dma_semaphore, #tpu.memory_space<semaphore_mem>>)
          %dma_wait3A = tpu.memref_slice %arg4[%add3A_52] : memref<160000xi32, #tpu.memory_space<hbm>> -> memref<80xi32, #tpu.memory_space<hbm>>
          %dma_wait3A_54 = tpu.memref_slice %arg4[%add3A_52] : memref<160000xi32, #tpu.memory_space<hbm>> -> memref<80xi32, #tpu.memory_space<hbm>>
          tpu.wait_dma2 semaphore(%run_scoped3A : memref<!tpu.dma_semaphore, #tpu.memory_space<semaphore_mem>>) src(%dma_wait3A_54 : memref<80xi32, #tpu.memory_space<hbm>>) dst(%arg14 : memref<80xi32, #tpu.memory_space<vmem>>)
          tpu.yield
        }) : () -> ()
        "tpu.region"() ({
          %run_scoped3A = tpu.sem_alloc : memref<!tpu.dma_semaphore, #tpu.memory_space<semaphore_mem>>
          %dma_start3A = tpu.memref_slice %arg5[%add3A_52] : memref<160000xi32, #tpu.memory_space<hbm>> -> memref<80xi32, #tpu.memory_space<hbm>>
          %dma_start3A_53 = tpu.memref_slice %arg5[%add3A_52] : memref<160000xi32, #tpu.memory_space<hbm>> -> memref<80xi32, #tpu.memory_space<hbm>>
          tpu.enqueue_dma source(%dma_start3A_53 : memref<80xi32, #tpu.memory_space<hbm>>) target(%arg15 : memref<80xi32, #tpu.memory_space<vmem>>) target_semaphore(%run_scoped3A : memref<!tpu.dma_semaphore, #tpu.memory_space<semaphore_mem>>)
          %dma_wait3A = tpu.memref_slice %arg5[%add3A_52] : memref<160000xi32, #tpu.memory_space<hbm>> -> memref<80xi32, #tpu.memory_space<hbm>>
          %dma_wait3A_54 = tpu.memref_slice %arg5[%add3A_52] : memref<160000xi32, #tpu.memory_space<hbm>> -> memref<80xi32, #tpu.memory_space<hbm>>
          tpu.wait_dma2 semaphore(%run_scoped3A : memref<!tpu.dma_semaphore, #tpu.memory_space<semaphore_mem>>) src(%dma_wait3A_54 : memref<80xi32, #tpu.memory_space<hbm>>) dst(%arg15 : memref<80xi32, #tpu.memory_space<vmem>>)
          tpu.yield
        }) : () -> ()
        "tpu.region"() ({
          %run_scoped3A = tpu.sem_alloc : memref<!tpu.dma_semaphore, #tpu.memory_space<semaphore_mem>>
          %dma_start3A = arith.constant 0 : i32
          %dma_start3A_53 = arith.constant 0 : i32
          %dma_start3A_54 = tpu.memref_slice %arg2[%dma_start3A, %dma_start3A_53] : memref<10000x128xf32, #tpu.memory_space<hbm>> -> memref<10000x128xf32, #tpu.memory_space<hbm>>
          tpu.enqueue_indirect_dma source(%dma_start3A_54 : memref<10000x128xf32, #tpu.memory_space<hbm>>) target(%arg13 : memref<80x128xf32, #tpu.memory_space<vmem>>) offsets(%arg14 : memref<80xi32, #tpu.memory_space<vmem>>) semaphore(%run_scoped3A : memref<!tpu.dma_semaphore, #tpu.memory_space<semaphore_mem>>)
          %dma_wait3A = arith.constant 0 : i32
          %dma_wait3A_55 = arith.constant 0 : i32
          %dma_wait3A_56 = tpu.memref_slice %arg2[%dma_wait3A, %dma_wait3A_55] : memref<10000x128xf32, #tpu.memory_space<hbm>> -> memref<10000x128xf32, #tpu.memory_space<hbm>>
          tpu.wait_indirect_dma semaphore(%run_scoped3A : memref<!tpu.dma_semaphore, #tpu.memory_space<semaphore_mem>>) src(%dma_wait3A_56 : memref<10000x128xf32, #tpu.memory_space<hbm>>) dst(%arg13 : memref<80x128xf32, #tpu.memory_space<vmem>>)
          tpu.yield
        }) : () -> ()
        "tpu.region"() ({
          %run_scoped3A = tpu.sem_alloc : memref<!tpu.dma_semaphore, #tpu.memory_space<semaphore_mem>>
          %dma_start3A = arith.constant 0 : i32
          %dma_start3A_53 = arith.constant 0 : i32
          %dma_start3A_54 = tpu.memref_slice %arg9[%dma_start3A, %dma_start3A_53] : memref<10000x128xf32, #tpu.memory_space<vmem_shared>> -> memref<10000x128xf32, #tpu.memory_space<vmem_shared>>
          tpu.enqueue_indirect_dma source(%arg13 : memref<80x128xf32, #tpu.memory_space<vmem>>) target(%dma_start3A_54 : memref<10000x128xf32, #tpu.memory_space<vmem_shared>>) offsets(%arg15 : memref<80xi32, #tpu.memory_space<vmem>>) semaphore(%run_scoped3A : memref<!tpu.dma_semaphore, #tpu.memory_space<semaphore_mem>>) {add = true}
          %dma_wait3A = arith.constant 0 : i32
          %dma_wait3A_55 = arith.constant 0 : i32
          %dma_wait3A_56 = tpu.memref_slice %arg9[%dma_wait3A, %dma_wait3A_55] : memref<10000x128xf32, #tpu.memory_space<vmem_shared>> -> memref<10000x128xf32, #tpu.memory_space<vmem_shared>>
          tpu.wait_indirect_dma semaphore(%run_scoped3A : memref<!tpu.dma_semaphore, #tpu.memory_space<semaphore_mem>>) src(%arg13 : memref<80x128xf32, #tpu.memory_space<vmem>>) dst(%dma_wait3A_56 : memref<10000x128xf32, #tpu.memory_space<vmem_shared>>)
          tpu.yield
        }) : () -> ()
        "tpu.region"() ({
          %run_scoped3A = tpu.sem_alloc : memref<!tpu.dma_semaphore, #tpu.memory_space<semaphore_mem>>
          %dma_start3A = arith.constant 0 : i32
          %dma_start3A_53 = arith.constant 0 : i32
          %dma_start3A_54 = tpu.memref_slice %arg10[%dma_start3A, %dma_start3A_53] : memref<10000x16xf32, #tpu.memory_space<vmem_shared>> -> memref<10000x16xf32, #tpu.memory_space<vmem_shared>>
          tpu.enqueue_indirect_dma source(%arg16 : memref<80x16xf32, #tpu.memory_space<vmem>>) target(%dma_start3A_54 : memref<10000x16xf32, #tpu.memory_space<vmem_shared>>) offsets(%arg15 : memref<80xi32, #tpu.memory_space<vmem>>) semaphore(%run_scoped3A : memref<!tpu.dma_semaphore, #tpu.memory_space<semaphore_mem>>) {add = true}
          %dma_wait3A = arith.constant 0 : i32
          %dma_wait3A_55 = arith.constant 0 : i32
          %dma_wait3A_56 = tpu.memref_slice %arg10[%dma_wait3A, %dma_wait3A_55] : memref<10000x16xf32, #tpu.memory_space<vmem_shared>> -> memref<10000x16xf32, #tpu.memory_space<vmem_shared>>
          tpu.wait_indirect_dma semaphore(%run_scoped3A : memref<!tpu.dma_semaphore, #tpu.memory_space<semaphore_mem>>) src(%arg16 : memref<80x16xf32, #tpu.memory_space<vmem>>) dst(%dma_wait3A_56 : memref<10000x16xf32, #tpu.memory_space<vmem_shared>>)
          tpu.yield
        }) : () -> ()
      }
      %scan3A_45 = arith.constant 125 : i32
    } else {
    }
    %eq3A_25 = arith.constant 1 : i32
    %eq3A_26 = arith.cmpi eq, %arg0, %eq3A_25 : i32
    %convert_element_type3A_27 = arith.extui %eq3A_26 : i1 to i32
    %cond3A_28 = arith.constant 0 : i32
    %cond3A_29 = arith.cmpi ne, %convert_element_type3A_27, %cond3A_28 : i32
    scf.if %cond3A_29 {
      %scan3A_41 = arith.constant 0 : i32
      %scan3A_42 = arith.constant 125 : i32
      %scan3A_43 = arith.addi %scan3A_41, %scan3A_42 : i32
      %scan3A_44 = arith.constant 1 : i32
      scf.for %scan3A_46 = %scan3A_41 to %scan3A_43 step %scan3A_44  : i32 {
        %mul3A_47 = arith.constant 1 : i32
        %mul3A_48 = arith.muli %scan3A_46, %mul3A_47 : i32
        %add3A = arith.constant 0 : i32
        %add3A_49 = arith.addi %add3A, %mul3A_48 : i32
        %mul3A_50 = arith.constant 80 : i32
        %mul3A_51 = arith.muli %add3A_49, %mul3A_50 : i32
        %add3A_52 = arith.addi %mul3A_22, %mul3A_51 : i32
        "tpu.region"() ({
          %run_scoped3A = tpu.sem_alloc : memref<!tpu.dma_semaphore, #tpu.memory_space<semaphore_mem>>
          %dma_start3A = tpu.memref_slice %arg4[%add3A_52] : memref<160000xi32, #tpu.memory_space<hbm>> -> memref<80xi32, #tpu.memory_space<hbm>>
          %dma_start3A_53 = tpu.memref_slice %arg4[%add3A_52] : memref<160000xi32, #tpu.memory_space<hbm>> -> memref<80xi32, #tpu.memory_space<hbm>>
          tpu.enqueue_dma source(%dma_start3A_53 : memref<80xi32, #tpu.memory_space<hbm>>) target(%arg14 : memref<80xi32, #tpu.memory_space<vmem>>) target_semaphore(%run_scoped3A : memref<!tpu.dma_semaphore, #tpu.memory_space<semaphore_mem>>)
          %dma_wait3A = tpu.memref_slice %arg4[%add3A_52] : memref<160000xi32, #tpu.memory_space<hbm>> -> memref<80xi32, #tpu.memory_space<hbm>>
          %dma_wait3A_54 = tpu.memref_slice %arg4[%add3A_52] : memref<160000xi32, #tpu.memory_space<hbm>> -> memref<80xi32, #tpu.memory_space<hbm>>
          tpu.wait_dma2 semaphore(%run_scoped3A : memref<!tpu.dma_semaphore, #tpu.memory_space<semaphore_mem>>) src(%dma_wait3A_54 : memref<80xi32, #tpu.memory_space<hbm>>) dst(%arg14 : memref<80xi32, #tpu.memory_space<vmem>>)
          tpu.yield
        }) : () -> ()
        "tpu.region"() ({
          %run_scoped3A = tpu.sem_alloc : memref<!tpu.dma_semaphore, #tpu.memory_space<semaphore_mem>>
          %dma_start3A = tpu.memref_slice %arg5[%add3A_52] : memref<160000xi32, #tpu.memory_space<hbm>> -> memref<80xi32, #tpu.memory_space<hbm>>
          %dma_start3A_53 = tpu.memref_slice %arg5[%add3A_52] : memref<160000xi32, #tpu.memory_space<hbm>> -> memref<80xi32, #tpu.memory_space<hbm>>
          tpu.enqueue_dma source(%dma_start3A_53 : memref<80xi32, #tpu.memory_space<hbm>>) target(%arg15 : memref<80xi32, #tpu.memory_space<vmem>>) target_semaphore(%run_scoped3A : memref<!tpu.dma_semaphore, #tpu.memory_space<semaphore_mem>>)
          %dma_wait3A = tpu.memref_slice %arg5[%add3A_52] : memref<160000xi32, #tpu.memory_space<hbm>> -> memref<80xi32, #tpu.memory_space<hbm>>
          %dma_wait3A_54 = tpu.memref_slice %arg5[%add3A_52] : memref<160000xi32, #tpu.memory_space<hbm>> -> memref<80xi32, #tpu.memory_space<hbm>>
          tpu.wait_dma2 semaphore(%run_scoped3A : memref<!tpu.dma_semaphore, #tpu.memory_space<semaphore_mem>>) src(%dma_wait3A_54 : memref<80xi32, #tpu.memory_space<hbm>>) dst(%arg15 : memref<80xi32, #tpu.memory_space<vmem>>)
          tpu.yield
        }) : () -> ()
        "tpu.region"() ({
          %run_scoped3A = tpu.sem_alloc : memref<!tpu.dma_semaphore, #tpu.memory_space<semaphore_mem>>
          %dma_start3A = arith.constant 0 : i32
          %dma_start3A_53 = arith.constant 0 : i32
          %dma_start3A_54 = tpu.memref_slice %arg3[%dma_start3A, %dma_start3A_53] : memref<10000x128xf32, #tpu.memory_space<hbm>> -> memref<10000x128xf32, #tpu.memory_space<hbm>>
          tpu.enqueue_indirect_dma source(%dma_start3A_54 : memref<10000x128xf32, #tpu.memory_space<hbm>>) target(%arg13 : memref<80x128xf32, #tpu.memory_space<vmem>>) offsets(%arg14 : memref<80xi32, #tpu.memory_space<vmem>>) semaphore(%run_scoped3A : memref<!tpu.dma_semaphore, #tpu.memory_space<semaphore_mem>>)
          %dma_wait3A = arith.constant 0 : i32
          %dma_wait3A_55 = arith.constant 0 : i32
          %dma_wait3A_56 = tpu.memref_slice %arg3[%dma_wait3A, %dma_wait3A_55] : memref<10000x128xf32, #tpu.memory_space<hbm>> -> memref<10000x128xf32, #tpu.memory_space<hbm>>
          tpu.wait_indirect_dma semaphore(%run_scoped3A : memref<!tpu.dma_semaphore, #tpu.memory_space<semaphore_mem>>) src(%dma_wait3A_56 : memref<10000x128xf32, #tpu.memory_space<hbm>>) dst(%arg13 : memref<80x128xf32, #tpu.memory_space<vmem>>)
          tpu.yield
        }) : () -> ()
        "tpu.region"() ({
          %run_scoped3A = tpu.sem_alloc : memref<!tpu.dma_semaphore, #tpu.memory_space<semaphore_mem>>
          %dma_start3A = arith.constant 0 : i32
          %dma_start3A_53 = arith.constant 0 : i32
          %dma_start3A_54 = tpu.memref_slice %arg9[%dma_start3A, %dma_start3A_53] : memref<10000x128xf32, #tpu.memory_space<vmem_shared>> -> memref<10000x128xf32, #tpu.memory_space<vmem_shared>>
          tpu.enqueue_indirect_dma source(%arg13 : memref<80x128xf32, #tpu.memory_space<vmem>>) target(%dma_start3A_54 : memref<10000x128xf32, #tpu.memory_space<vmem_shared>>) offsets(%arg15 : memref<80xi32, #tpu.memory_space<vmem>>) semaphore(%run_scoped3A : memref<!tpu.dma_semaphore, #tpu.memory_space<semaphore_mem>>) {add = true}
          %dma_wait3A = arith.constant 0 : i32
          %dma_wait3A_55 = arith.constant 0 : i32
          %dma_wait3A_56 = tpu.memref_slice %arg9[%dma_wait3A, %dma_wait3A_55] : memref<10000x128xf32, #tpu.memory_space<vmem_shared>> -> memref<10000x128xf32, #tpu.memory_space<vmem_shared>>
          tpu.wait_indirect_dma semaphore(%run_scoped3A : memref<!tpu.dma_semaphore, #tpu.memory_space<semaphore_mem>>) src(%arg13 : memref<80x128xf32, #tpu.memory_space<vmem>>) dst(%dma_wait3A_56 : memref<10000x128xf32, #tpu.memory_space<vmem_shared>>)
          tpu.yield
        }) : () -> ()
        "tpu.region"() ({
          %run_scoped3A = tpu.sem_alloc : memref<!tpu.dma_semaphore, #tpu.memory_space<semaphore_mem>>
          %dma_start3A = arith.constant 0 : i32
          %dma_start3A_53 = arith.constant 0 : i32
          %dma_start3A_54 = tpu.memref_slice %arg10[%dma_start3A, %dma_start3A_53] : memref<10000x16xf32, #tpu.memory_space<vmem_shared>> -> memref<10000x16xf32, #tpu.memory_space<vmem_shared>>
          tpu.enqueue_indirect_dma source(%arg16 : memref<80x16xf32, #tpu.memory_space<vmem>>) target(%dma_start3A_54 : memref<10000x16xf32, #tpu.memory_space<vmem_shared>>) offsets(%arg15 : memref<80xi32, #tpu.memory_space<vmem>>) semaphore(%run_scoped3A : memref<!tpu.dma_semaphore, #tpu.memory_space<semaphore_mem>>) {add = true}
          %dma_wait3A = arith.constant 0 : i32
          %dma_wait3A_55 = arith.constant 0 : i32
          %dma_wait3A_56 = tpu.memref_slice %arg10[%dma_wait3A, %dma_wait3A_55] : memref<10000x16xf32, #tpu.memory_space<vmem_shared>> -> memref<10000x16xf32, #tpu.memory_space<vmem_shared>>
          tpu.wait_indirect_dma semaphore(%run_scoped3A : memref<!tpu.dma_semaphore, #tpu.memory_space<semaphore_mem>>) src(%arg16 : memref<80x16xf32, #tpu.memory_space<vmem>>) dst(%dma_wait3A_56 : memref<10000x16xf32, #tpu.memory_space<vmem_shared>>)
          tpu.yield
        }) : () -> ()
      }
      %scan3A_45 = arith.constant 125 : i32
    } else {
    }
    %barrier3A_30 = arith.constant 0 : index
    tpu.barrier barrier_id(%barrier3A_30)
    %eq3A_31 = arith.constant 0 : i32
    %eq3A_32 = arith.cmpi eq, %arg0, %eq3A_31 : i32
    %convert_element_type3A_33 = arith.extui %eq3A_32 : i1 to i32
    %cond3A_34 = arith.constant 0 : i32
    %cond3A_35 = arith.cmpi ne, %convert_element_type3A_33, %cond3A_34 : i32
    scf.if %cond3A_35 {
      %scan3A_41 = arith.constant 0 : i32
      %scan3A_42 = arith.constant 5 : i32
      %scan3A_43 = arith.addi %scan3A_41, %scan3A_42 : i32
      %scan3A_44 = arith.constant 1 : i32
      scf.for %scan3A_51 = %scan3A_41 to %scan3A_43 step %scan3A_44  : i32 {
        %mul3A_52 = arith.constant 1 : i32
        %mul3A_53 = arith.muli %scan3A_51, %mul3A_52 : i32
        %add3A = arith.constant 0 : i32
        %add3A_54 = arith.addi %add3A, %mul3A_53 : i32
        %mul3A_55 = arith.constant 125 : i32
        %mul3A_56 = arith.muli %add3A_54, %mul3A_55 : i32
        %add3A_57 = arith.addi %mul3A_10, %mul3A_56 : i32
        "tpu.region"() ({
          %run_scoped3A = tpu.sem_alloc : memref<!tpu.dma_semaphore, #tpu.memory_space<semaphore_mem>>
          %dma_start3A = arith.constant 0 : i32
          %dma_start3A_58 = tpu.memref_slice %arg9[%add3A_57, %dma_start3A] : memref<10000x128xf32, #tpu.memory_space<vmem_shared>> -> memref<125x128xf32, #tpu.memory_space<vmem_shared>>
          %dma_start3A_59 = arith.constant 0 : i32
          %dma_start3A_60 = tpu.memref_slice %arg9[%add3A_57, %dma_start3A_59] : memref<10000x128xf32, #tpu.memory_space<vmem_shared>> -> memref<125x128xf32, #tpu.memory_space<vmem_shared>>
          tpu.enqueue_dma source(%dma_start3A_60 : memref<125x128xf32, #tpu.memory_space<vmem_shared>>) target(%arg11 : memref<125x128xf32, #tpu.memory_space<vmem>>) target_semaphore(%run_scoped3A : memref<!tpu.dma_semaphore, #tpu.memory_space<semaphore_mem>>)
          %dma_wait3A = arith.constant 0 : i32
          %dma_wait3A_61 = tpu.memref_slice %arg9[%add3A_57, %dma_wait3A] : memref<10000x128xf32, #tpu.memory_space<vmem_shared>> -> memref<125x128xf32, #tpu.memory_space<vmem_shared>>
          %dma_wait3A_62 = arith.constant 0 : i32
          %dma_wait3A_63 = tpu.memref_slice %arg9[%add3A_57, %dma_wait3A_62] : memref<10000x128xf32, #tpu.memory_space<vmem_shared>> -> memref<125x128xf32, #tpu.memory_space<vmem_shared>>
          tpu.wait_dma2 semaphore(%run_scoped3A : memref<!tpu.dma_semaphore, #tpu.memory_space<semaphore_mem>>) src(%dma_wait3A_63 : memref<125x128xf32, #tpu.memory_space<vmem_shared>>) dst(%arg11 : memref<125x128xf32, #tpu.memory_space<vmem>>)
          tpu.yield
        }) : () -> ()
        "tpu.region"() ({
          %run_scoped3A = tpu.sem_alloc : memref<!tpu.dma_semaphore, #tpu.memory_space<semaphore_mem>>
          %dma_start3A = arith.constant 0 : i32
          %dma_start3A_58 = tpu.memref_slice %arg6[%add3A_57, %dma_start3A] : memref<10000x128xf32, #tpu.memory_space<hbm>> -> memref<125x128xf32, #tpu.memory_space<hbm>>
          %dma_start3A_59 = arith.constant 0 : i32
          %dma_start3A_60 = tpu.memref_slice %arg6[%add3A_57, %dma_start3A_59] : memref<10000x128xf32, #tpu.memory_space<hbm>> -> memref<125x128xf32, #tpu.memory_space<hbm>>
          tpu.enqueue_dma source(%arg11 : memref<125x128xf32, #tpu.memory_space<vmem>>) target(%dma_start3A_60 : memref<125x128xf32, #tpu.memory_space<hbm>>) target_semaphore(%run_scoped3A : memref<!tpu.dma_semaphore, #tpu.memory_space<semaphore_mem>>)
          %dma_wait3A = arith.constant 0 : i32
          %dma_wait3A_61 = tpu.memref_slice %arg6[%add3A_57, %dma_wait3A] : memref<10000x128xf32, #tpu.memory_space<hbm>> -> memref<125x128xf32, #tpu.memory_space<hbm>>
          %dma_wait3A_62 = arith.constant 0 : i32
          %dma_wait3A_63 = tpu.memref_slice %arg6[%add3A_57, %dma_wait3A_62] : memref<10000x128xf32, #tpu.memory_space<hbm>> -> memref<125x128xf32, #tpu.memory_space<hbm>>
          tpu.wait_dma2 semaphore(%run_scoped3A : memref<!tpu.dma_semaphore, #tpu.memory_space<semaphore_mem>>) src(%arg11 : memref<125x128xf32, #tpu.memory_space<vmem>>) dst(%dma_wait3A_63 : memref<125x128xf32, #tpu.memory_space<hbm>>)
          tpu.yield
        }) : () -> ()
      }
      %scan3A_45 = arith.constant 5 : i32
      %scan3A_46 = arith.constant 0 : i32
      %scan3A_47 = arith.constant 5 : i32
      %scan3A_48 = arith.addi %scan3A_46, %scan3A_47 : i32
      %scan3A_49 = arith.constant 1 : i32
      scf.for %scan3A_51 = %scan3A_46 to %scan3A_48 step %scan3A_49  : i32 {
        %mul3A_52 = arith.constant 1 : i32
        %mul3A_53 = arith.muli %scan3A_51, %mul3A_52 : i32
        %add3A = arith.constant 0 : i32
        %add3A_54 = arith.addi %add3A, %mul3A_53 : i32
        %mul3A_55 = arith.constant 125 : i32
        %mul3A_56 = arith.muli %add3A_54, %mul3A_55 : i32
        %add3A_57 = arith.addi %mul3A_10, %mul3A_56 : i32
        "tpu.region"() ({
          %run_scoped3A = tpu.sem_alloc : memref<!tpu.dma_semaphore, #tpu.memory_space<semaphore_mem>>
          %dma_start3A = arith.constant 0 : i32
          %dma_start3A_58 = tpu.memref_slice %arg10[%add3A_57, %dma_start3A] : memref<10000x16xf32, #tpu.memory_space<vmem_shared>> -> memref<125x16xf32, #tpu.memory_space<vmem_shared>>
          %dma_start3A_59 = arith.constant 0 : i32
          %dma_start3A_60 = tpu.memref_slice %arg10[%add3A_57, %dma_start3A_59] : memref<10000x16xf32, #tpu.memory_space<vmem_shared>> -> memref<125x16xf32, #tpu.memory_space<vmem_shared>>
          tpu.enqueue_dma source(%dma_start3A_60 : memref<125x16xf32, #tpu.memory_space<vmem_shared>>) target(%arg12 : memref<125x16xf32, #tpu.memory_space<vmem>>) target_semaphore(%run_scoped3A : memref<!tpu.dma_semaphore, #tpu.memory_space<semaphore_mem>>)
          %dma_wait3A = arith.constant 0 : i32
          %dma_wait3A_61 = tpu.memref_slice %arg10[%add3A_57, %dma_wait3A] : memref<10000x16xf32, #tpu.memory_space<vmem_shared>> -> memref<125x16xf32, #tpu.memory_space<vmem_shared>>
          %dma_wait3A_62 = arith.constant 0 : i32
          %dma_wait3A_63 = tpu.memref_slice %arg10[%add3A_57, %dma_wait3A_62] : memref<10000x16xf32, #tpu.memory_space<vmem_shared>> -> memref<125x16xf32, #tpu.memory_space<vmem_shared>>
          tpu.wait_dma2 semaphore(%run_scoped3A : memref<!tpu.dma_semaphore, #tpu.memory_space<semaphore_mem>>) src(%dma_wait3A_63 : memref<125x16xf32, #tpu.memory_space<vmem_shared>>) dst(%arg12 : memref<125x16xf32, #tpu.memory_space<vmem>>)
          tpu.yield
        }) : () -> ()
        "tpu.region"() ({
          %run_scoped3A = tpu.sem_alloc : memref<!tpu.dma_semaphore, #tpu.memory_space<semaphore_mem>>
          %dma_start3A = arith.constant 0 : i32
          %dma_start3A_58 = tpu.memref_slice %arg8[%add3A_57, %dma_start3A] : memref<10000x16xf32, #tpu.memory_space<hbm>> -> memref<125x16xf32, #tpu.memory_space<hbm>>
          %dma_start3A_59 = arith.constant 0 : i32
          %dma_start3A_60 = tpu.memref_slice %arg8[%add3A_57, %dma_start3A_59] : memref<10000x16xf32, #tpu.memory_space<hbm>> -> memref<125x16xf32, #tpu.memory_space<hbm>>
          tpu.enqueue_dma source(%arg12 : memref<125x16xf32, #tpu.memory_space<vmem>>) target(%dma_start3A_60 : memref<125x16xf32, #tpu.memory_space<hbm>>) target_semaphore(%run_scoped3A : memref<!tpu.dma_semaphore, #tpu.memory_space<semaphore_mem>>)
          %dma_wait3A = arith.constant 0 : i32
          %dma_wait3A_61 = tpu.memref_slice %arg8[%add3A_57, %dma_wait3A] : memref<10000x16xf32, #tpu.memory_space<hbm>> -> memref<125x16xf32, #tpu.memory_space<hbm>>
          %dma_wait3A_62 = arith.constant 0 : i32
          %dma_wait3A_63 = tpu.memref_slice %arg8[%add3A_57, %dma_wait3A_62] : memref<10000x16xf32, #tpu.memory_space<hbm>> -> memref<125x16xf32, #tpu.memory_space<hbm>>
          tpu.wait_dma2 semaphore(%run_scoped3A : memref<!tpu.dma_semaphore, #tpu.memory_space<semaphore_mem>>) src(%arg12 : memref<125x16xf32, #tpu.memory_space<vmem>>) dst(%dma_wait3A_63 : memref<125x16xf32, #tpu.memory_space<hbm>>)
          tpu.yield
        }) : () -> ()
      }
      %scan3A_50 = arith.constant 5 : i32
    } else {
    }
    %eq3A_36 = arith.constant 1 : i32
    %eq3A_37 = arith.cmpi eq, %arg0, %eq3A_36 : i32
    %convert_element_type3A_38 = arith.extui %eq3A_37 : i1 to i32
    %cond3A_39 = arith.constant 0 : i32
    %cond3A_40 = arith.cmpi ne, %convert_element_type3A_38, %cond3A_39 : i32
    scf.if %cond3A_40 {
      %scan3A_41 = arith.constant 0 : i32
      %scan3A_42 = arith.constant 5 : i32
      %scan3A_43 = arith.addi %scan3A_41, %scan3A_42 : i32
      %scan3A_44 = arith.constant 1 : i32
      scf.for %scan3A_46 = %scan3A_41 to %scan3A_43 step %scan3A_44  : i32 {
        %mul3A_47 = arith.constant 1 : i32
        %mul3A_48 = arith.muli %scan3A_46, %mul3A_47 : i32
        %add3A = arith.constant 0 : i32
        %add3A_49 = arith.addi %add3A, %mul3A_48 : i32
        %mul3A_50 = arith.constant 125 : i32
        %mul3A_51 = arith.muli %add3A_49, %mul3A_50 : i32
        %add3A_52 = arith.addi %mul3A_10, %mul3A_51 : i32
        "tpu.region"() ({
          %run_scoped3A = tpu.sem_alloc : memref<!tpu.dma_semaphore, #tpu.memory_space<semaphore_mem>>
          %dma_start3A = arith.constant 0 : i32
          %dma_start3A_53 = tpu.memref_slice %arg9[%add3A_52, %dma_start3A] : memref<10000x128xf32, #tpu.memory_space<vmem_shared>> -> memref<125x128xf32, #tpu.memory_space<vmem_shared>>
          %dma_start3A_54 = arith.constant 0 : i32
          %dma_start3A_55 = tpu.memref_slice %arg9[%add3A_52, %dma_start3A_54] : memref<10000x128xf32, #tpu.memory_space<vmem_shared>> -> memref<125x128xf32, #tpu.memory_space<vmem_shared>>
          tpu.enqueue_dma source(%dma_start3A_55 : memref<125x128xf32, #tpu.memory_space<vmem_shared>>) target(%arg11 : memref<125x128xf32, #tpu.memory_space<vmem>>) target_semaphore(%run_scoped3A : memref<!tpu.dma_semaphore, #tpu.memory_space<semaphore_mem>>)
          %dma_wait3A = arith.constant 0 : i32
          %dma_wait3A_56 = tpu.memref_slice %arg9[%add3A_52, %dma_wait3A] : memref<10000x128xf32, #tpu.memory_space<vmem_shared>> -> memref<125x128xf32, #tpu.memory_space<vmem_shared>>
          %dma_wait3A_57 = arith.constant 0 : i32
          %dma_wait3A_58 = tpu.memref_slice %arg9[%add3A_52, %dma_wait3A_57] : memref<10000x128xf32, #tpu.memory_space<vmem_shared>> -> memref<125x128xf32, #tpu.memory_space<vmem_shared>>
          tpu.wait_dma2 semaphore(%run_scoped3A : memref<!tpu.dma_semaphore, #tpu.memory_space<semaphore_mem>>) src(%dma_wait3A_58 : memref<125x128xf32, #tpu.memory_space<vmem_shared>>) dst(%arg11 : memref<125x128xf32, #tpu.memory_space<vmem>>)
          tpu.yield
        }) : () -> ()
        "tpu.region"() ({
          %run_scoped3A = tpu.sem_alloc : memref<!tpu.dma_semaphore, #tpu.memory_space<semaphore_mem>>
          %dma_start3A = arith.constant 0 : i32
          %dma_start3A_53 = tpu.memref_slice %arg7[%add3A_52, %dma_start3A] : memref<10000x128xf32, #tpu.memory_space<hbm>> -> memref<125x128xf32, #tpu.memory_space<hbm>>
          %dma_start3A_54 = arith.constant 0 : i32
          %dma_start3A_55 = tpu.memref_slice %arg7[%add3A_52, %dma_start3A_54] : memref<10000x128xf32, #tpu.memory_space<hbm>> -> memref<125x128xf32, #tpu.memory_space<hbm>>
          tpu.enqueue_dma source(%arg11 : memref<125x128xf32, #tpu.memory_space<vmem>>) target(%dma_start3A_55 : memref<125x128xf32, #tpu.memory_space<hbm>>) target_semaphore(%run_scoped3A : memref<!tpu.dma_semaphore, #tpu.memory_space<semaphore_mem>>)
          %dma_wait3A = arith.constant 0 : i32
          %dma_wait3A_56 = tpu.memref_slice %arg7[%add3A_52, %dma_wait3A] : memref<10000x128xf32, #tpu.memory_space<hbm>> -> memref<125x128xf32, #tpu.memory_space<hbm>>
          %dma_wait3A_57 = arith.constant 0 : i32
          %dma_wait3A_58 = tpu.memref_slice %arg7[%add3A_52, %dma_wait3A_57] : memref<10000x128xf32, #tpu.memory_space<hbm>> -> memref<125x128xf32, #tpu.memory_space<hbm>>
          tpu.wait_dma2 semaphore(%run_scoped3A : memref<!tpu.dma_semaphore, #tpu.memory_space<semaphore_mem>>) src(%arg11 : memref<125x128xf32, #tpu.memory_space<vmem>>) dst(%dma_wait3A_58 : memref<125x128xf32, #tpu.memory_space<hbm>>)
          tpu.yield
        }) : () -> ()
      }
      %scan3A_45 = arith.constant 5 : i32
    } else {
    }
    return
  }
}

module attributes {stable_mosaic.version = 14 : i64} {
  func.func @_tc1_body(%arg0: i32, %arg1: memref<2000x128xf32, #tpu.memory_space<vmem>>, %arg2: memref<2000x128xf32, #tpu.memory_space<vmem>>, %arg3: memref<2000x16xf32, #tpu.memory_space<vmem>>, %arg4: memref<2000x256xf32, #tpu.memory_space<vmem>>, %arg5: memref<256x512xf32, #tpu.memory_space<vmem>>, %arg6: memref<256x512xf32, #tpu.memory_space<vmem>>, %arg7: memref<1x512xf32, #tpu.memory_space<vmem>>, %arg8: memref<512x256xf32, #tpu.memory_space<vmem>>, %arg9: memref<512x256xf32, #tpu.memory_space<vmem>>, %arg10: memref<2000x128xf32, #tpu.memory_space<vmem>>, %arg11: memref<2000x128xf32, #tpu.memory_space<vmem>>, %arg12: memref<2000x256xf32, #tpu.memory_space<vmem>>) attributes {dimension_semantics = [#tpu.dimension_semantics<arbitrary>], iteration_bounds = array<i64: 5>, scalar_prefetch = 0 : i64, scratch_operands = 0 : i64, tpu.core_type = #tpu.core_type<tc>, window_params = [{transform_indices = @transform_0, window_bounds = array<i64: 2000, 128>}, {transform_indices = @transform_1, window_bounds = array<i64: 2000, 128>}, {transform_indices = @transform_2, window_bounds = array<i64: 2000, 16>}, {transform_indices = @transform_3, window_bounds = array<i64: 2000, 256>}, {pipeline_mode = #tpu.pipeline_mode<synchronous>, transform_indices = @transform_4, window_bounds = array<i64: 256, 512>}, {pipeline_mode = #tpu.pipeline_mode<synchronous>, transform_indices = @transform_5, window_bounds = array<i64: 256, 512>}, {pipeline_mode = #tpu.pipeline_mode<synchronous>, transform_indices = @transform_6, window_bounds = array<i64: 1, 512>}, {pipeline_mode = #tpu.pipeline_mode<synchronous>, transform_indices = @transform_7, window_bounds = array<i64: 512, 256>}, {pipeline_mode = #tpu.pipeline_mode<synchronous>, transform_indices = @transform_8, window_bounds = array<i64: 512, 256>}, {transform_indices = @transform_9, window_bounds = array<i64: 2000, 128>}, {transform_indices = @transform_10, window_bounds = array<i64: 2000, 128>}, {transform_indices = @transform_11, window_bounds = array<i64: 2000, 256>}]} {
    %get3A = arith.constant 0 : index
    %get3A_0 = arith.constant 0 : index
    %get3A_1 = vector.load %arg3[%get3A, %get3A_0] : memref<2000x16xf32, #tpu.memory_space<vmem>>, vector<2000x1xf32>
    %max3A = arith.constant 1.000000e+00 : f32
    %max3A_2 = vector.broadcast %max3A : f32 to vector<2000x1xf32>
    %max3A_3 = arith.maximumf %get3A_1, %max3A_2 : vector<2000x1xf32>
    %div3A = arith.constant 1.000000e+00 : f32
    %div3A_4 = vector.broadcast %div3A : f32 to vector<2000x1xf32>
    %div3A_5 = arith.divf %div3A_4, %max3A_3 : vector<2000x1xf32>
    %get3A_6 = arith.constant 0 : index
    %get3A_7 = arith.constant 0 : index
    %get3A_8 = vector.load %arg1[%get3A_6, %get3A_7] : memref<2000x128xf32, #tpu.memory_space<vmem>>, vector<2000x128xf32>
    %mul3A = vector.broadcast %div3A_5 : vector<2000x1xf32> to vector<2000x128xf32>
    %mul3A_9 = arith.mulf %get3A_8, %mul3A : vector<2000x128xf32>
    %get3A_10 = arith.constant 0 : index
    %get3A_11 = arith.constant 0 : index
    %get3A_12 = vector.load %arg2[%get3A_10, %get3A_11] : memref<2000x128xf32, #tpu.memory_space<vmem>>, vector<2000x128xf32>
    %mul3A_13 = vector.broadcast %div3A_5 : vector<2000x1xf32> to vector<2000x128xf32>
    %mul3A_14 = arith.mulf %get3A_12, %mul3A_13 : vector<2000x128xf32>
    %get3A_15 = arith.constant 0 : index
    %get3A_16 = arith.constant 0 : index
    %get3A_17 = vector.load %arg5[%get3A_15, %get3A_16] : memref<256x512xf32, #tpu.memory_space<vmem>>, vector<128x512xf32>
    %dot_general3A = arith.constant dense<0.000000e+00> : vector<2000x512xf32>
    %dot_general3A_18 = tpu.matmul %mul3A_9, %get3A_17, %dot_general3A {dimension_numbers = #tpu.dot_dimension_numbers<[1], [0], [0], [1], [0, 0, 1, 1], [], []>, transpose_lhs_hint = false} : vector<2000x128xf32>, vector<128x512xf32>, vector<2000x512xf32> -> vector<2000x512xf32>
    %get3A_19 = arith.constant 128 : index
    %get3A_20 = arith.constant 0 : index
    %get3A_21 = vector.load %arg5[%get3A_19, %get3A_20] : memref<256x512xf32, #tpu.memory_space<vmem>>, vector<128x512xf32>
    %dot_general3A_22 = arith.constant dense<0.000000e+00> : vector<2000x512xf32>
    %dot_general3A_23 = tpu.matmul %mul3A_14, %get3A_21, %dot_general3A_22 {dimension_numbers = #tpu.dot_dimension_numbers<[1], [0], [0], [1], [0, 0, 1, 1], [], []>, transpose_lhs_hint = false} : vector<2000x128xf32>, vector<128x512xf32>, vector<2000x512xf32> -> vector<2000x512xf32>
    %add3A = arith.addf %dot_general3A_18, %dot_general3A_23 : vector<2000x512xf32>
    %get3A_24 = arith.constant 0 : index
    %get3A_25 = arith.constant 0 : index
    %get3A_26 = vector.load %arg4[%get3A_24, %get3A_25] : memref<2000x256xf32, #tpu.memory_space<vmem>>, vector<2000x256xf32>
    %get3A_27 = arith.constant 0 : index
    %get3A_28 = arith.constant 0 : index
    %get3A_29 = vector.load %arg6[%get3A_27, %get3A_28] : memref<256x512xf32, #tpu.memory_space<vmem>>, vector<256x512xf32>
    %dot_general3A_30 = arith.constant dense<0.000000e+00> : vector<2000x512xf32>
    %dot_general3A_31 = tpu.matmul %get3A_26, %get3A_29, %dot_general3A_30 {dimension_numbers = #tpu.dot_dimension_numbers<[1], [0], [0], [1], [0, 0, 1, 1], [], []>, transpose_lhs_hint = false} : vector<2000x256xf32>, vector<256x512xf32>, vector<2000x512xf32> -> vector<2000x512xf32>
    %add3A_32 = arith.addf %add3A, %dot_general3A_31 : vector<2000x512xf32>
    %get3A_33 = arith.constant 0 : index
    %get3A_34 = arith.constant 0 : index
    %get3A_35 = vector.load %arg7[%get3A_33, %get3A_34] : memref<1x512xf32, #tpu.memory_space<vmem>>, vector<1x512xf32>
    %add3A_36 = vector.broadcast %get3A_35 : vector<1x512xf32> to vector<2000x512xf32>
    %add3A_37 = arith.addf %add3A_32, %add3A_36 : vector<2000x512xf32>
    %max3A_38 = arith.constant 0.000000e+00 : f32
    %max3A_39 = vector.broadcast %max3A_38 : f32 to vector<2000x512xf32>
    %max3A_40 = arith.maximumf %add3A_37, %max3A_39 : vector<2000x512xf32>
    %get3A_41 = arith.constant 0 : index
    %get3A_42 = arith.constant 0 : index
    %get3A_43 = vector.load %arg8[%get3A_41, %get3A_42] : memref<512x256xf32, #tpu.memory_space<vmem>>, vector<512x128xf32>
    %dot_general3A_44 = arith.constant dense<0.000000e+00> : vector<2000x128xf32>
    %dot_general3A_45 = tpu.matmul %max3A_40, %get3A_43, %dot_general3A_44 {dimension_numbers = #tpu.dot_dimension_numbers<[1], [0], [0], [1], [0, 0, 1, 1], [], []>, transpose_lhs_hint = false} : vector<2000x512xf32>, vector<512x128xf32>, vector<2000x128xf32> -> vector<2000x128xf32>
    %swap3A = arith.constant 0 : index
    %swap3A_46 = arith.constant 0 : index
    %swap3A_47 = vector.load %arg10[%swap3A, %swap3A_46] : memref<2000x128xf32, #tpu.memory_space<vmem>>, vector<2000x128xf32>
    tpu.vector_store %arg10[%swap3A, %swap3A_46], %dot_general3A_45 {strides = array<i32>} : memref<2000x128xf32, #tpu.memory_space<vmem>>, vector<2000x128xf32>,
    %get3A_48 = arith.constant 0 : index
    %get3A_49 = arith.constant 128 : index
    %get3A_50 = vector.load %arg8[%get3A_48, %get3A_49] : memref<512x256xf32, #tpu.memory_space<vmem>>, vector<512x128xf32>
    %dot_general3A_51 = arith.constant dense<0.000000e+00> : vector<2000x128xf32>
    %dot_general3A_52 = tpu.matmul %max3A_40, %get3A_50, %dot_general3A_51 {dimension_numbers = #tpu.dot_dimension_numbers<[1], [0], [0], [1], [0, 0, 1, 1], [], []>, transpose_lhs_hint = false} : vector<2000x512xf32>, vector<512x128xf32>, vector<2000x128xf32> -> vector<2000x128xf32>
    %swap3A_53 = arith.constant 0 : index
    %swap3A_54 = arith.constant 0 : index
    %swap3A_55 = vector.load %arg11[%swap3A_53, %swap3A_54] : memref<2000x128xf32, #tpu.memory_space<vmem>>, vector<2000x128xf32>
    tpu.vector_store %arg11[%swap3A_53, %swap3A_54], %dot_general3A_52 {strides = array<i32>} : memref<2000x128xf32, #tpu.memory_space<vmem>>, vector<2000x128xf32>,
    %get3A_56 = arith.constant 0 : index
    %get3A_57 = arith.constant 0 : index
    %get3A_58 = vector.load %arg9[%get3A_56, %get3A_57] : memref<512x256xf32, #tpu.memory_space<vmem>>, vector<512x256xf32>
    %dot_general3A_59 = arith.constant dense<0.000000e+00> : vector<2000x256xf32>
    %dot_general3A_60 = tpu.matmul %max3A_40, %get3A_58, %dot_general3A_59 {dimension_numbers = #tpu.dot_dimension_numbers<[1], [0], [0], [1], [0, 0, 1, 1], [], []>, transpose_lhs_hint = false} : vector<2000x512xf32>, vector<512x256xf32>, vector<2000x256xf32> -> vector<2000x256xf32>
    %swap3A_61 = arith.constant 0 : index
    %swap3A_62 = arith.constant 0 : index
    %swap3A_63 = vector.load %arg12[%swap3A_61, %swap3A_62] : memref<2000x256xf32, #tpu.memory_space<vmem>>, vector<2000x256xf32>
    tpu.vector_store %arg12[%swap3A_61, %swap3A_62], %dot_general3A_60 {strides = array<i32>} : memref<2000x256xf32, #tpu.memory_space<vmem>>, vector<2000x256xf32>,
    return
  }
  func.func @transform_0(%arg0: i32) -> (i32, i32) {
    %c0_i32 = arith.constant 0 : i32
    %c0_i32_0 = arith.constant 0 : i32
    return %arg0, %c0_i32 : i32, i32
  }
  func.func @transform_1(%arg0: i32) -> (i32, i32) {
    %c0_i32 = arith.constant 0 : i32
    %c0_i32_0 = arith.constant 0 : i32
    return %arg0, %c0_i32 : i32, i32
  }
  func.func @transform_2(%arg0: i32) -> (i32, i32) {
    %c0_i32 = arith.constant 0 : i32
    %c0_i32_0 = arith.constant 0 : i32
    return %arg0, %c0_i32 : i32, i32
  }
  func.func @transform_3(%arg0: i32) -> (i32, i32) {
    %c0_i32 = arith.constant 0 : i32
    %c0_i32_0 = arith.constant 0 : i32
    return %arg0, %c0_i32 : i32, i32
  }
  func.func @transform_4(%arg0: i32) -> (i32, i32) {
    %c0_i32 = arith.constant 0 : i32
    %c0_i32_0 = arith.constant 0 : i32
    %c0_i32_1 = arith.constant 0 : i32
    return %c0_i32, %c0_i32_0 : i32, i32
  }
  func.func @transform_5(%arg0: i32) -> (i32, i32) {
    %c0_i32 = arith.constant 0 : i32
    %c0_i32_0 = arith.constant 0 : i32
    %c0_i32_1 = arith.constant 0 : i32
    return %c0_i32, %c0_i32_0 : i32, i32
  }
  func.func @transform_6(%arg0: i32) -> (i32, i32) {
    %c0_i32 = arith.constant 0 : i32
    %c0_i32_0 = arith.constant 0 : i32
    %c0_i32_1 = arith.constant 0 : i32
    return %c0_i32, %c0_i32_0 : i32, i32
  }
  func.func @transform_7(%arg0: i32) -> (i32, i32) {
    %c0_i32 = arith.constant 0 : i32
    %c0_i32_0 = arith.constant 0 : i32
    %c0_i32_1 = arith.constant 0 : i32
    return %c0_i32, %c0_i32_0 : i32, i32
  }
  func.func @transform_8(%arg0: i32) -> (i32, i32) {
    %c0_i32 = arith.constant 0 : i32
    %c0_i32_0 = arith.constant 0 : i32
    %c0_i32_1 = arith.constant 0 : i32
    return %c0_i32, %c0_i32_0 : i32, i32
  }
  func.func @transform_9(%arg0: i32) -> (i32, i32) {
    %c0_i32 = arith.constant 0 : i32
    %c0_i32_0 = arith.constant 0 : i32
    return %arg0, %c0_i32 : i32, i32
  }
  func.func @transform_10(%arg0: i32) -> (i32, i32) {
    %c0_i32 = arith.constant 0 : i32
    %c0_i32_0 = arith.constant 0 : i32
    return %arg0, %c0_i32 : i32, i32
  }
  func.func @transform_11(%arg0: i32) -> (i32, i32) {
    %c0_i32 = arith.constant 0 : i32
    %c0_i32_0 = arith.constant 0 : i32
    return %arg0, %c0_i32 : i32, i32
  }
}

module attributes {stable_mosaic.version = 14 : i64} {
  func.func @_tc2_body(%arg0: i32, %arg1: memref<2000x128xf32, #tpu.memory_space<vmem>>, %arg2: memref<2000x128xf32, #tpu.memory_space<vmem>>, %arg3: memref<2000x16xf32, #tpu.memory_space<vmem>>, %arg4: memref<2000x256xf32, #tpu.memory_space<vmem>>, %arg5: memref<1x256xf32, #tpu.memory_space<vmem>>, %arg6: memref<2000x256xf32, #tpu.memory_space<vmem>>) attributes {dimension_semantics = [#tpu.dimension_semantics<arbitrary>], iteration_bounds = array<i64: 5>, scalar_prefetch = 0 : i64, scratch_operands = 0 : i64, tpu.core_type = #tpu.core_type<tc>, window_params = [{transform_indices = @transform_0, window_bounds = array<i64: 2000, 128>}, {transform_indices = @transform_1, window_bounds = array<i64: 2000, 128>}, {transform_indices = @transform_2, window_bounds = array<i64: 2000, 16>}, {transform_indices = @transform_3, window_bounds = array<i64: 2000, 256>}, {pipeline_mode = #tpu.pipeline_mode<synchronous>, transform_indices = @transform_4, window_bounds = array<i64: 1, 256>}, {transform_indices = @transform_5, window_bounds = array<i64: 2000, 256>}]} {
    %get3A = arith.constant 0 : index
    %get3A_0 = arith.constant 0 : index
    %get3A_1 = vector.load %arg3[%get3A, %get3A_0] : memref<2000x16xf32, #tpu.memory_space<vmem>>, vector<2000x1xf32>
    %max3A = arith.constant 1.000000e+00 : f32
    %max3A_2 = vector.broadcast %max3A : f32 to vector<2000x1xf32>
    %max3A_3 = arith.maximumf %get3A_1, %max3A_2 : vector<2000x1xf32>
    %div3A = arith.constant 1.000000e+00 : f32
    %div3A_4 = vector.broadcast %div3A : f32 to vector<2000x1xf32>
    %div3A_5 = arith.divf %div3A_4, %max3A_3 : vector<2000x1xf32>
    %get3A_6 = arith.constant 0 : index
    %get3A_7 = arith.constant 0 : index
    %get3A_8 = vector.load %arg1[%get3A_6, %get3A_7] : memref<2000x128xf32, #tpu.memory_space<vmem>>, vector<2000x128xf32>
    %mul3A = vector.broadcast %div3A_5 : vector<2000x1xf32> to vector<2000x128xf32>
    %mul3A_9 = arith.mulf %get3A_8, %mul3A : vector<2000x128xf32>
    %get3A_10 = arith.constant 0 : index
    %get3A_11 = arith.constant 0 : index
    %get3A_12 = vector.load %arg2[%get3A_10, %get3A_11] : memref<2000x128xf32, #tpu.memory_space<vmem>>, vector<2000x128xf32>
    %mul3A_13 = vector.broadcast %div3A_5 : vector<2000x1xf32> to vector<2000x128xf32>
    %mul3A_14 = arith.mulf %get3A_12, %mul3A_13 : vector<2000x128xf32>
    %concatenate3A = tpu.concatenate %mul3A_9, %mul3A_14 in 1 : vector<2000x128xf32>, vector<2000x128xf32> -> vector<2000x256xf32>
    %get3A_15 = arith.constant 0 : index
    %get3A_16 = arith.constant 0 : index
    %get3A_17 = vector.load %arg4[%get3A_15, %get3A_16] : memref<2000x256xf32, #tpu.memory_space<vmem>>, vector<2000x256xf32>
    %add3A = arith.addf %concatenate3A, %get3A_17 : vector<2000x256xf32>
    %get3A_18 = arith.constant 0 : index
    %get3A_19 = arith.constant 0 : index
    %get3A_20 = vector.load %arg5[%get3A_18, %get3A_19] : memref<1x256xf32, #tpu.memory_space<vmem>>, vector<1x256xf32>
    %add3A_21 = vector.broadcast %get3A_20 : vector<1x256xf32> to vector<2000x256xf32>
    %add3A_22 = arith.addf %add3A, %add3A_21 : vector<2000x256xf32>
    %logistic3A = arith.negf %add3A_22 : vector<2000x256xf32>
    %logistic3A_23 = math.exp %logistic3A : vector<2000x256xf32>
    %logistic3A_24 = arith.constant 1.000000e+00 : f32
    %logistic3A_25 = vector.broadcast %logistic3A_24 : f32 to vector<2000x256xf32>
    %logistic3A_26 = arith.addf %logistic3A_25, %logistic3A_23 : vector<2000x256xf32>
    %logistic3A_27 = arith.divf %logistic3A_25, %logistic3A_26 : vector<2000x256xf32>
    %swap3A = arith.constant 0 : index
    %swap3A_28 = arith.constant 0 : index
    %swap3A_29 = vector.load %arg6[%swap3A, %swap3A_28] : memref<2000x256xf32, #tpu.memory_space<vmem>>, vector<2000x256xf32>
    tpu.vector_store %arg6[%swap3A, %swap3A_28], %logistic3A_27 {strides = array<i32>} : memref<2000x256xf32, #tpu.memory_space<vmem>>, vector<2000x256xf32>,
    return
  }
  func.func @transform_0(%arg0: i32) -> (i32, i32) {
    %c0_i32 = arith.constant 0 : i32
    %c0_i32_0 = arith.constant 0 : i32
    return %arg0, %c0_i32 : i32, i32
  }
  func.func @transform_1(%arg0: i32) -> (i32, i32) {
    %c0_i32 = arith.constant 0 : i32
    %c0_i32_0 = arith.constant 0 : i32
    return %arg0, %c0_i32 : i32, i32
  }
  func.func @transform_2(%arg0: i32) -> (i32, i32) {
    %c0_i32 = arith.constant 0 : i32
    %c0_i32_0 = arith.constant 0 : i32
    return %arg0, %c0_i32 : i32, i32
  }
  func.func @transform_3(%arg0: i32) -> (i32, i32) {
    %c0_i32 = arith.constant 0 : i32
    %c0_i32_0 = arith.constant 0 : i32
    return %arg0, %c0_i32 : i32, i32
  }
  func.func @transform_4(%arg0: i32) -> (i32, i32) {
    %c0_i32 = arith.constant 0 : i32
    %c0_i32_0 = arith.constant 0 : i32
    %c0_i32_1 = arith.constant 0 : i32
    return %c0_i32, %c0_i32_0 : i32, i32
  }
  func.func @transform_5(%arg0: i32) -> (i32, i32) {
    %c0_i32 = arith.constant 0 : i32
    %c0_i32_0 = arith.constant 0 : i32
    return %arg0, %c0_i32 : i32, i32
  }
}

</mosaic_0001>

<sc_bundles>
// kernel: kernel.6.cloned.1.call-start
scs
__scs_entry_jumppad:
0x0: {  	(pc) =	sbr.rel $0x88, $3  }
0x1: {  	(tag) =	ssettag $0x0;
	lr =	simm.s32 $0x1  }
0x2: {  	[smem:$0x3F99] =	sst lr;
	_ =	strace $0xD0000000  }
0x3: {  	_ = 	snop  }
0x4: {  	_ = 	snop  }
0x5: {  	_ = 	snop  }
0x6: {  	_ = 	snop  }
0x7: {  	_ = 	snop  }
__scs_overlays_trampoline_lowered:
0x8: {  	[smem:$0x3FA8] =	sst s0  }
0x9: {  	[smem:$0x3FA9] =	sst s1  }
0xa: {  	[smem:$0x3FAA] =	sst s2  }
0xb: {  	[smem:$0x3FAB] =	sst s3  }
0xc: {  	[smem:$0x3FAC] =	sst s4  }
0xd: {  	[smem:$0x3FAD] =	sst s5  }
0xe: {  	[smem:$0x3FAE] =	sst s6  }
0xf: {  	[smem:$0x3FAF] =	sst s7  }
0x10: {  	[smem:$0x3FB0] =	sst s8  }
0x11: {  	[smem:$0x3FB1] =	sst s9;
	s0 =	simm.s32 @!p0 $0x0  }
0x12: {  	s1 =	sld [smem:$0x3F97];
	s0 =	simm.s32 @p0 $0x1  }
0x13: {  	[smem:$0x3FB2] =	sst s0;
	s0 =	simm.s32 @!p1 $0x0  }
0x14: {  	s2 =	sld [smem:$0x3F96];
	s0 =	simm.s32 @p1 $0x1  }
0x15: {  	[smem:$0x3FB3] =	sst s0;
	s0 =	simm.s32 @!p2 $0x0  }
0x16: {  	s3 =	sld [smem:$0x3FDB];
	s0 =	simm.s32 @p2 $0x1  }
0x17: {  	s4 =	simm.s32 $0x1BF5;
	[smem:$0x3FB5] =	sst s0  }
0x18: {  	s0 =	sld [smem:$0x3F98];
	_ =	swait.ge [sflag:s4], $0x0  }
0x19: {  	s7 =	sld [smem:$0x3F99]  }
0x1a: {  	s8 =	sadd.s32 $0xFFFFE003, lr  }
0x1b: {  	s9 =	sadd.s32 $0xFFFFFEF7, lr;
	s5 =	simm.s32 $0xFFFFFFFF;
	p2 =	slt.u32 s8, $0xFFFFF086  }
0x1c: {  	p1 =	slt.u32 s9, $0xF7A;
	s5 =	simm.s32 @!p2 $0x0  }
0x1d: {  	s5 =	simm.s32 @p1 $0x1;
	p0 =	seq.s32 s7, s2  }
0x1e: {  	s7 =	smul.u32 @!p0 $0xF7A, s2;
	p2 =	seq.s32 @!p0 s5, $0x0  }
0x1f: {  	s9 =	smul.u32 $0xF7A, s1;
	s8 =	simm.s32 @!p0 $0x1BF5;
	p2 =	por !p2, p0  }
0x20: {  	[sflag:s8] =	ssyncset.s32 @!p0 $0xFFFFF086;
	s6 =	sadd.s32 @!p0 s3, s7;
	s7 =	simm.s32 @!p0 $0x108  }
0x21: {  	s3 =	sadd.s32 s3, s9;
	s6 =	sadd.s32 @!p0 $0x88, s6;
	s7 =	simm.s32 @p2 $0x1082  }
0x22: {  	[simem:s7], [sflag:s8] =	dma.local @!p0 [hbm:s6], $0xF7A  }
0x23: {  	s9 =	sor.u32 $0xD0000000, s2;
	s6 =	simm.s32 $0x108;
	_ =	swait.ge @!p0 [sflag:s8], $0x0  }
0x24: {  	s3 =	sadd.s32 $0x88, s3;
	s6 =	simm.s32 @!p1 $0x1082;
	[sflag:s4] =	ssyncset.s32 $0xFFFFF086  }
0x25: {  	[simem:s6], [sflag:s4] =	dma.local [hbm:s3], $0xF7A  }
0x26: {  	[smem:$0x3F99] =	sst s1;
	(tag) =	ssettag s2;
	_ =	strace s9  }
0x27: {  	s1 =	sld [smem:$0x3FA9]  }
0x28: {  	s2 =	sld [smem:$0x3FAA]  }
0x29: {  	s4 =	sld [smem:$0x3FAC]  }
0x2a: {  	p0 =	seq.s32 s5, $0x0;
	s5 =	sld [smem:$0x3FAD]  }
0x2b: {  	s6 =	sld [smem:$0x3FAE]  }
0x2c: {  	s7 =	sld [smem:$0x3FAF]  }
0x2d: {  	s3 =	simm.s32 $0x108;
	s8 =	sld [smem:$0x3FB0]  }
0x2e: {  	s3 =	simm.s32 @!p0 $0x1082;
	s9 =	sld [smem:$0x3FB1]  }
0x2f: {  	lr =	sadd.s32 s0, s3;
	s0 =	sld [smem:$0x3FA8]  }
0x30: {  	s3 =	sld [smem:$0x3FAB]  }
0x31: {  	[smem:$0x3FB4] =	sst s10  }
0x32: {  	s10 =	sld [smem:$0x3FB2];
	_ =	sdelay $0x3  }
0x33: {  	p0 =	seq.s32 s10, $0x1;
	s10 =	sld [smem:$0x3FB4];
	_ =	sdelay $0x3  }
0x34: {  	[smem:$0x3FB4] =	sst s10  }
0x35: {  	s10 =	sld [smem:$0x3FB3];
	_ =	sdelay $0x3  }
0x36: {  	p1 =	seq.s32 s10, $0x1;
	s10 =	sld [smem:$0x3FB4];
	_ =	sdelay $0x3  }
0x37: {  	[smem:$0x3FB4] =	sst s10  }
0x38: {  	s10 =	sld [smem:$0x3FB5]  }
0x39: {  	_ = 	snop;
	(pc) =	sbr.ind lr, $3  }
0x3a: {  	_ = 	snop  }
0x3b: {  	_ = 	snop  }
0x3c: {  	p2 =	seq.s32 s10, $0x1;
	s10 =	sld [smem:$0x3FB4]  }
0x3d: {  	_ =	shalt  }
0x3e: {  	_ =	shalt  }
0x3f: {  	_ =	shalt  }
0x40: {  	_ =	shalt  }
0x41: {  	_ =	shalt  }
0x42: {  	_ =	shalt  }
0x43: {  	_ =	shalt  }
0x44: {  	_ =	shalt  }
0x45: {  	_ =	shalt  }
0x46: {  	_ =	shalt  }
0x47: {  	_ =	shalt  }
0x48: {  	_ =	shalt  }
0x49: {  	_ =	shalt  }
0x4a: {  	_ =	shalt  }
0x4b: {  	_ =	shalt  }
0x4c: {  	_ =	shalt  }
0x4d: {  	_ =	shalt  }
0x4e: {  	_ =	shalt  }
0x4f: {  	_ =	shalt  }
0x50: {  	_ =	shalt  }
0x51: {  	_ =	shalt  }
0x52: {  	_ =	shalt  }
0x53: {  	_ =	shalt  }
0x54: {  	_ =	shalt  }
0x55: {  	_ =	shalt  }
0x56: {  	_ =	shalt  }
0x57: {  	_ =	shalt  }
0x58: {  	_ =	shalt  }
0x59: {  	_ =	shalt  }
0x5a: {  	_ =	shalt  }
0x5b: {  	_ =	shalt  }
0x5c: {  	_ =	shalt  }
0x5d: {  	_ =	shalt  }
0x5e: {  	_ =	shalt  }
0x5f: {  	_ =	shalt  }
0x60: {  	_ =	shalt  }
0x61: {  	_ =	shalt  }
0x62: {  	_ =	shalt  }
0x63: {  	_ =	shalt  }
0x64: {  	_ =	shalt  }
0x65: {  	_ =	shalt  }
0x66: {  	_ =	shalt  }
0x67: {  	_ =	shalt  }
0x68: {  	_ =	shalt  }
0x69: {  	_ =	shalt  }
0x6a: {  	_ =	shalt  }
0x6b: {  	_ =	shalt  }
0x6c: {  	_ =	shalt  }
0x6d: {  	_ =	shalt  }
0x6e: {  	_ =	shalt  }
0x6f: {  	_ =	shalt  }
0x70: {  	_ =	shalt  }
0x71: {  	_ =	shalt  }
0x72: {  	_ =	shalt  }
0x73: {  	_ =	shalt  }
0x74: {  	_ =	shalt  }
0x75: {  	_ =	shalt  }
0x76: {  	_ =	shalt  }
0x77: {  	_ =	shalt  }
0x78: {  	_ =	shalt  }
0x79: {  	_ =	shalt  }
0x7a: {  	_ =	shalt  }
0x7b: {  	_ =	shalt  }
0x7c: {  	_ =	shalt  }
0x7d: {  	_ =	shalt  }
0x7e: {  	_ =	shalt  }
0x7f: {  	_ =	shalt  }
0x80: {  	_ =	shalt  }
0x81: {  	_ =	shalt  }
0x82: {  	_ =	shalt  }
0x83: {  	_ =	shalt  }
0x84: {  	_ =	shalt  }
0x85: {  	_ =	shalt  }
0x86: {  	_ =	shalt  }
0x87: {  	_ =	shalt  }
.Lfunc_end0:
.L_simem_size_0:
called_computation_lowered:
.L_overlay_start_0:
0x88: {  	s2 =	sld [smem:$0x3FD9]  }
0x89: {  	s3 =	sld [smem:$0x3FFE];
	_ =	sdelay $0x1  }
0x8a: {  	s1 =	srdreg.scid  }
0x8b: {  	s0 =	sand.u32 $0x1, s1  }
0x8c: {  	s17 =	sshll.u32 s0, $0xA;
	s2 =	sadd.s32 s3, s2  }
0x8d: {  	s2 =	sadd.s32 s2, s17  }
0x8e: {  	[smem:$0x3FC0] =	sst s2  }
0x8f: {  	_ = 	snop  }
0x90: {  	s2 =	sld [smem:$0x3FD0];
	(tm) =	ssettm $0x1  }
0x91: {  	s18 =	sld [smem:$0x3FFB];
	_ =	sdelay $0x3  }
0x92: {  	_ =	strace s18  }
0x93: {  	s3 =	sld [smem:$0x3FFC];
	_ =	sdelay $0x3  }
0x94: {  	_ =	strace s3  }
0x95: {  	s3 =	sld [smem:$0x3FFD];
	_ =	sdelay $0x3  }
0x96: {  	_ =	strace s3  }
0x97: {  	_ =	strace $0x8FFFFFFF  }
0x98: {  	s19 =	sld [smem:$0x3FDB];
	_ =	sdelay $0x1  }
0x99: {  	s4 =	simm.s32 $_scs_section_size  }
0x9a: {  	s5 =	simm.s32 $_size__tile_overlayer_lowered;
	s6 =	simm.s32 $_tile_overlayer_lowered  }
0x9b: {  	s22 =	simm.s32 $0x1BFF;
	s21 =	sshll.u32 s6, $0x1;
	s3 =	sadd.s32 s4, s19  }
0x9c: {  	s7 =	simm.s32 $0x0;
	s20 =	sshll.u32 s5, $0x1;
	s5 =	sadd.s32 s21, s3  }
0x9d: {  	[timem:s7], [sflag:s22] =	dma.local [hbm:s5], s20  }
0x9e: {  	_ =	swait.ge [sflag:s22], s20  }
0x9f: {  	s4 =	ssub.s32 $0x0, s20;
	[sflag:s22] =	ssyncset.done $0x0  }
0xa0: {  	[sflag:s22] =	ssyncadd.s32 s4;
	_ =	sdelay $0x1  }
0xa1: {  	s23 =	simm.s32 $0x1B8B  }
0xa2: {  	_ =	swait.ge [sflag:s23], $0x1  }
0xa3: {  	[sflag:s23] =	ssyncset.done $0x0  }
0xa4: {  	s25 =	simm.s32 $0x1B8E;
	s24 =	sld [smem:$0x3FFE];
	[sflag:s23] =	ssyncadd.s32 $0xFFFFFFFF  }
0xa5: {  	s26 =	simm.s32 $execute0_lowered;
	[smem:$0x3FD2] =	sst s25  }
0xa6: {  	s5 =	sshll.u32 s26, $0x1;
	_ =	strace $0x80000046;
	[dreg:$0x1] =	wrdreg $0xFFFFFFFF  }
0xa7: {  	s28 =	simm.s32 $_size_execute0_lowered;
	s3 =	sadd.s32 s3, s5;
	[dreg:$0x0] =	wrdreg $0x0  }
0xa8: {  	s5 =	sshll.u32 s28, $0x1;
	[dreg:$0x2] =	wrdreg s3  }
0xa9: {  	[dreg:$0x3] =	wrdreg s5  }
0xaa: {  	[dreg:$0x4] =	wrdreg $0xC0  }
0xab: {  	_ =	task [dreg:s7], $0x5FFFF  }
0xac: {  	[dreg:$0x1] =	wrdreg $0xFFFFFFFF  }
0xad: {  	[dreg:$0x0] =	wrdreg $0x60  }
0xae: {  	[dreg:$0x2] =	wrdreg s24  }
0xaf: {  	[dreg:$0x3] =	wrdreg s2  }
0xb0: {  	[dreg:$0x4] =	wrdreg $0x0  }
0xb1: {  	[dreg:$0x5] =	wrdreg $0x138800  }
0xb2: {  	[dreg:$0x6] =	wrdreg $0x9  }
0xb3: {  	_ =	task.clear_ibuf [dreg:s7], $0x7FFFF;
	_ =	strace $0x90000046  }
0xb4: {  	s29 =	simm.s32 $0x9;
	_ =	strace $0x80000048  }
0xb5: {  	_ =	swait.ge [sflag:s29], $0x1  }
0xb6: {  	[sflag:s29] =	ssyncadd.s32 $0xFFFFFFFF  }
0xb7: {  	_ =	strace $0x90000048  }
0xb8: {  	_ =	sfence  }
0xb9: {  	s30 =	sld [smem:$0x0];
	_ =	sdelay $0x2  }
0xba: {  	s31 =	sshll.u32 s1, $0xD;
	s1 =	sshrl.u32 s1, $0x2  }
0xbb: {  	s3 =	sand.u32 $0x4000, s31;
	s1 =	sadd.s32 s1, s30  }
0xbc: {  	s0 =	sor.u32 s3, s0;
	s1 =	sshll.u32 s1, $0x11  }
0xbd: {  	s0 =	sor.u32 s1, s0  }
0xbe: {  	s0 =	sadd.s32 $0x8F2B, s0  }
0xbf: {  	[sflag:s0] =	ssyncadd.remote.s32 $0x1  }
0xc0: {  	_ =	sfence.sel $0xFFFF  }
0xc1: {  	[dreg:$0x0] =	wrdreg $0xFFFFFFFF;
	(pc) =	sbr.abs _section_cstart, $3  }
0xc2: {  	[dreg:$0x1] =	wrdreg $0xFFFFFFFF  }
0xc3: {  	_ =	task.clear_ibuf [dreg:s7], $0x2FFFF;
	_ =	strace $0x9FFFFFFF  }
0xc4: {  	(tm) =	ssettm $0x7FFFFFFF  }
0xc5: {  	_ =	shalt  }
tec
execute0_lowered:
.L_overlay_start_1:
0x0: {  	(tag) =	ssettag $0x1  }
0x1: {  	s0 =	rddreg [dreg:$0x0]  }
0x2: {  	s1 =	rddreg [dreg:$0x1]  }
0x3: {  	s3 =	rddreg [dreg:$0x2]  }
0x4: {  	s4 =	rddreg [dreg:$0x3]  }
0x5: {  	s5 =	simm.s32 $0x0;
	s18 =	stileid.u32;
	s2 =	srdreg.scid  }
0x6: {  	[smem:$0x7FF] =	sst s5;
	s11 =	smul.u32 $0x4E2, s18  }
0x7: {  	s2 =	sand.u32 $0x1, s2;
	s6 =	sadd.s32 $0xCC00, s0;
	s13 =	smul.u32 $0x271, s18  }
0x8: {  	s14 =	sadd.s32 $0x38E00, s0;
	s29 =	smul.u32 $0x4E200, s18;
	s15 =	sadd.s32 $0x60000, s0  }
0x9: {  	s26 =	smul.u32 $0x9C40, s18;
	_ =	strace $0x80000047;
	s7 =	ssub.s32 $0x2, s2  }
0xa: {  	p0 =	sne.s32 s2, $0x0;
	s12 =	sadd.s32 s11, s0;
	s8 =	sshrl.u32 s7, $0x1  }
0xb: {  	s0 =	sadd.s32 $0x33E00, s0;
	s19 =	sadd.s32 $0x7D, s13;
	s20 =	sadd.s32 $0xFA, s13  }
0xc: {  	s21 =	sadd.s32 $0x177, s13;
	s13 =	sadd.s32 $0x1F4, s13;
	s7 =	ssub.s32 s7, s8  }
0xd: {  	s8 =	sshrl.u32 s29, $0x2;
	s9 =	sshll.u32 s19, $0x7;
	s10 =	sshll.u32 s20, $0x7  }
0xe: {  	s16 =	sshll.u32 s21, $0x7;
	s17 =	sshll.u32 s19, $0x1;
	s31 =	sadd.s32 s0, s11  }
0xf: {  	s23 =	sshll.u32 s21, $0x1;
	s24 =	sshll.u32 s13, $0x1;
	s29 =	sshll.u32 s13, $0x7  }
0x10: {  	s13 =	sshll.u32 s13, $0x4;
	s7 =	smax.u32 s7, $0x1;
	s8 =	sadd.s32 s8, s3  }
0x11: {  	s9 =	sadd.s32 s9, s3;
	s10 =	sadd.s32 s10, s3;
	[dreg:$0x6] =	wrdreg s31  }
0x12: {  	s11 =	sadd.s32 s0, s17;
	s17 =	sshll.u32 s20, $0x1;
	[dreg:$0x5] =	wrdreg s7  }
0x13: {  	s25 =	sadd.s32 s0, s23;
	s16 =	sadd.s32 s16, s3;
	[dreg:$0x7] =	wrdreg s11  }
0x14: {  	s31 =	smul.u32 $0x2710, s18;
	s22 =	sadd.s32 s0, s17;
	[dreg:$0x9] =	wrdreg s25  }
0x15: {  	s0 =	sadd.s32 s0, s24;
	s17 =	sadd.s32 s29, s3;
	s11 =	sshll.u32 s19, $0x4  }
0x16: {  	s19 =	sshll.u32 s20, $0x4;
	s20 =	sshll.u32 s21, $0x4;
	[dreg:$0x8] =	wrdreg s22  }
0x17: {  	s25 =	sadd.s32 s15, s13;
	[dreg:$0xa] =	wrdreg s0;
	s0 =	sshrl.u32 s26, $0x2  }
0x18: {  	s21 =	sadd.s32 s15, s31;
	s22 =	sadd.s32 s15, s11;
	[dreg:$0xf] =	wrdreg s25  }
0x19: {  	s23 =	sadd.s32 s15, s19;
	s24 =	sadd.s32 s15, s20;
	[dreg:$0xb] =	wrdreg s21  }
0x1a: {  	s2 =	sadd.s32 s14, s31;
	s25 =	sadd.s32 s11, s4;
	[dreg:$0xc] =	wrdreg s22  }
0x1b: {  	s28 =	sadd.s32 s19, s4;
	s26 =	sadd.s32 s14, s19;
	[dreg:$0xd] =	wrdreg s23  }
0x1c: {  	s30 =	sadd.s32 s20, s4;
	s29 =	sadd.s32 s14, s20;
	[dreg:$0xe] =	wrdreg s24  }
0x1d: {  	s31 =	sadd.s32 s14, s13;
	s15 =	simm.s32 $0x19E10;
	[dreg:$0x10] =	wrdreg s2  }
0x1e: {  	s19 =	simm.s32 $0x1CDE0;
	s20 =	simm.s32 $0x1CE30;
	[dreg:$0x12] =	wrdreg s26  }
.Ltmp0:
0x1f: {  	s18 =	sadd.s32 s0, s4;
	[dreg:$0x13] =	wrdreg s29;
	(pc) =	sbr.rel .LBB2_1-.Ltmp0, $4  }
0x20: {  	s0 =	sadd.s32 s14, s11;
	[dreg:$0x14] =	wrdreg s31;
	s2 =	sadd.s32 s13, s4  }
0x21: {  	s11 =	sadd.s32 $0x2C00, s12;
	s12 =	sadd.s32 $0x7C00, s12;
	s13 =	simm.s32 $0x15F90  }
0x22: {  	s14 =	simm.s32 $0x1;
	s21 =	simm.s32 $0x50;
	s22 =	simm.s32 $0x1A5E0  }
0x23: {  	v0 =	vimm.f32 $0.0e+00;
	v1 =	vimm.f32 $1.000000000e+00;
	s23 =	simm.s32 $0x1CE80;
	s24 =	simm.s32 $0x0;
	[dreg:$0x11] =	wrdreg s0  }
.LBB2_11:
0x24: {  	s0 =	sadd.s32 s26, s12;
	[sflag:s14] =	ssyncadd.s32 $0xFFFFFB00  }
0x25: {  	[tilespmem:s19], [sflag:$0x1] =	stream.linear.gather [hbm4b:s0+s5], $0x50, $0x38;
	[tilespmem:$0x1D380] =	vst v63  }
0x26: {  	_ =	swait.ge [sflag:s14], $0x50  }
0x27: {  	[sflag:s14] =	ssyncset.done $0x0  }
0x28: {  	s29 =	sadd.s32 s26, s11;
	[sflag:s14] =	ssyncadd.s32 $0xFFFFFFB0  }
0x29: {  	[tilespmem:s20], [sflag:$0x1] =	stream.linear.gather [hbm4b:s29+s5], $0x50, $0x38;
	[tilespmem:$0x1D380] =	vst v63  }
0x2a: {  	_ =	swait.ge [sflag:s14], $0x50  }
0x2b: {  	[sflag:s14] =	ssyncset.done $0x0  }
0x2c: {  	[sflag:s14] =	ssyncadd.s32 $0xFFFFFFB0  }
0x2d: {  	[tilespmem:s22], [sflag:$0x1] =	stream.indirect.gather [hbm4b:s1+s21], $0x80, s19, s21, $0xb8;
	[tilespmem:$0x1D380] =	vst v63  }
0x2e: {  	_ =	swait.ge [sflag:s14], $0x2800  }
0x2f: {  	[sflag:s14] =	ssyncset.done $0x0  }
0x30: {  	[sflag:s14] =	ssyncadd.s32 $0xFFFFD800  }
0x31: {  	[spmem:s3] =	stream.indirect.scatter.add.f32 [tilespmem:s22], [sflag:$0x1], $0x80, s20, s21, $0xb8;
	[tilespmem:$0x1D380] =	vst v63  }
0x32: {  	_ =	swait.ge [sflag:s14], $0x2800  }
0x33: {  	[sflag:s14] =	ssyncset.done $0x0  }
0x34: {  	[sflag:s14] =	ssyncadd.s32 $0xFFFFD800  }
0x35: {  	[spmem:s4] =	stream.indirect.scatter.add.f32 [tilespmem:s23], [sflag:$0x1], $0x10, s20, s21, $0xb8;
	[tilespmem:$0x1D380] =	vst v63  }
0x36: {  	_ =	swait.ge [sflag:s14], $0x500  }
0x37: {  	[sflag:s14] =	ssyncset.done $0x0  }
0x38: {  	[sflag:s14] =	ssyncadd.s32 $0xFFFFFB00  }
0x39: {  	[bflag:$0x0] =	sbarrier.arrive $0xFFFF  }
0x3a: {  	[tilespmem:s13], [sflag:$0x1] =	stream.linear.gather [spmem:s8], $0x3E80, $0x38;
	[tilespmem:$0x1D380] =	vst v63  }
0x3b: {  	_ =	swait.ge [sflag:s14], $0x3E80  }
0x3c: {  	[sflag:s14] =	ssyncset.done $0x0  }
0x3d: {  	s31 =	rddreg [dreg:$0xb];
	[sflag:s14] =	ssyncadd.s32 $0xFFFFC180  }
0x3e: {  	[hbm4b:s31+s5] =	stream.linear.scatter [tilespmem:s13], [sflag:$0x1], $0x3E80, $0x38;
	[tilespmem:$0x1D380] =	vst v63  }
0x3f: {  	_ =	swait.ge [sflag:s14], $0x3E80  }
0x40: {  	[sflag:s14] =	ssyncset.done $0x0  }
0x41: {  	[sflag:s14] =	ssyncadd.s32 $0xFFFFC180  }
0x42: {  	[tilespmem:s13], [sflag:$0x1] =	stream.linear.gather [spmem:s9], $0x3E80, $0x38;
	[tilespmem:$0x1D380] =	vst v63  }
0x43: {  	_ =	swait.ge [sflag:s14], $0x3E80  }
0x44: {  	[sflag:s14] =	ssyncset.done $0x0  }
0x45: {  	s7 =	rddreg [dreg:$0xc];
	[sflag:s14] =	ssyncadd.s32 $0xFFFFC180  }
0x46: {  	[hbm4b:s7+s5] =	stream.linear.scatter [tilespmem:s13], [sflag:$0x1], $0x3E80, $0x38;
	[tilespmem:$0x1D380] =	vst v63  }
0x47: {  	_ =	swait.ge [sflag:s14], $0x3E80  }
0x48: {  	[sflag:s14] =	ssyncset.done $0x0  }
0x49: {  	[sflag:s14] =	ssyncadd.s32 $0xFFFFC180  }
0x4a: {  	[tilespmem:s13], [sflag:$0x1] =	stream.linear.gather [spmem:s10], $0x3E80, $0x38;
	[tilespmem:$0x1D380] =	vst v63  }
0x4b: {  	_ =	swait.ge [sflag:s14], $0x3E80  }
0x4c: {  	[sflag:s14] =	ssyncset.done $0x0  }
0x4d: {  	s26 =	rddreg [dreg:$0xd];
	[sflag:s14] =	ssyncadd.s32 $0xFFFFC180  }
0x4e: {  	[hbm4b:s26+s5] =	stream.linear.scatter [tilespmem:s13], [sflag:$0x1], $0x3E80, $0x38;
	[tilespmem:$0x1D380] =	vst v63  }
0x4f: {  	_ =	swait.ge [sflag:s14], $0x3E80  }
0x50: {  	[sflag:s14] =	ssyncset.done $0x0  }
0x51: {  	[sflag:s14] =	ssyncadd.s32 $0xFFFFC180  }
0x52: {  	[tilespmem:s13], [sflag:$0x1] =	stream.linear.gather [spmem:s16], $0x3E80, $0x38;
	[tilespmem:$0x1D380] =	vst v63  }
0x53: {  	_ =	swait.ge [sflag:s14], $0x3E80  }
0x54: {  	[sflag:s14] =	ssyncset.done $0x0  }
0x55: {  	s29 =	rddreg [dreg:$0xe];
	[sflag:s14] =	ssyncadd.s32 $0xFFFFC180  }
0x56: {  	[hbm4b:s29+s5] =	stream.linear.scatter [tilespmem:s13], [sflag:$0x1], $0x3E80, $0x38;
	[tilespmem:$0x1D380] =	vst v63  }
0x57: {  	_ =	swait.ge [sflag:s14], $0x3E80  }
0x58: {  	[sflag:s14] =	ssyncset.done $0x0  }
0x59: {  	[sflag:s14] =	ssyncadd.s32 $0xFFFFC180  }
0x5a: {  	[tilespmem:s13], [sflag:$0x1] =	stream.linear.gather [spmem:s17], $0x3E80, $0x38;
	[tilespmem:$0x1D380] =	vst v63  }
0x5b: {  	_ =	swait.ge [sflag:s14], $0x3E80  }
0x5c: {  	[sflag:s14] =	ssyncset.done $0x0  }
0x5d: {  	s31 =	rddreg [dreg:$0xf];
	[sflag:s14] =	ssyncadd.s32 $0xFFFFC180  }
0x5e: {  	[hbm4b:s31+s5] =	stream.linear.scatter [tilespmem:s13], [sflag:$0x1], $0x3E80, $0x38;
	[tilespmem:$0x1D380] =	vst v63  }
0x5f: {  	_ =	swait.ge [sflag:s14], $0x3E80  }
0x60: {  	[sflag:s14] =	ssyncset.done $0x0  }
0x61: {  	[sflag:s14] =	ssyncadd.s32 $0xFFFFC180  }
.LBB2_12:
0x62: {  	s24 =	sadd.s32 $0x1, s24;
	s0 =	rddreg [dreg:$0x5]  }
0x63: {  	p1 =	sne.s32 s24, s0  }
.Ltmp1:
0x64: {  	_ = 	snop;
	(pc) =	sbr.rel @!p1 .LBB2_13-.Ltmp1, $1  }
0x65: {  	_ =	sdelay $0x3  }
.LBB2_1:
0x66: {  	s26 =	simm.s32 $0x15FD0  }
0x67: {  	[tilespmem:s26+$0xFFFFFFD0] =	vst v0  }
0x68: {  	[tilespmem:s26+$0xFFFFFFE0] =	vst v0  }
0x69: {  	[tilespmem:s26+$0xFFFFFFF0] =	vst v0  }
0x6a: {  	[tilespmem:s26+$0x0] =	vst v0  }
0x6b: {  	[tilespmem:s26+$0x10] =	vst v0  }
0x6c: {  	[tilespmem:s26+$0x20] =	vst v0  }
0x6d: {  	[tilespmem:s26+$0x30] =	vst v0  }
0x6e: {  	s31 =	simm.s32 $0x0;
	s29 =	simm.s32 $0x40;
	[tilespmem:s26+$0xFFFFFFC0] =	vst v0  }
.LBB2_2:
0x6f: {  	p1 =	sne.s32 s29, $0x1F00;
	[tilespmem:s31+$0x19E10] =	vst v0;
	s26 =	sadd.s32 $0x80, s26  }
0x70: {  	[tilespmem:s26+$0xFFFFFFD0] =	vst v0  }
0x71: {  	[tilespmem:s26+$0xFFFFFFE0] =	vst v0  }
0x72: {  	[tilespmem:s26+$0xFFFFFFF0] =	vst v0  }
.Ltmp2:
0x73: {  	[tilespmem:s26+$0x0] =	vst v0;
	(pc) =	sbr.rel @p1 .LBB2_2-.Ltmp2, $4  }
0x74: {  	[tilespmem:s26+$0x10] =	vst v0  }
0x75: {  	[tilespmem:s26+$0x20] =	vst v0  }
0x76: {  	[tilespmem:s26+$0x30] =	vst v0  }
0x77: {  	s31 =	sshra.s32 s29, $0x2;
	s29 =	sadd.s32 $0x40, s29;
	[tilespmem:s26+$0xFFFFFFC0] =	vst v0  }
0x78: {  	[tilespmem:s31+$0x19E10] =	vst v0;
	s26 =	simm.s32 $0x40;
	s29 =	simm.s32 $0x0  }
.LBB2_4:
0x79: {  	p1 =	sne.s32 s26, $0x13C0;
	[tilespmem:s29+$0x1CE80] =	vst v1;
	s29 =	smov.u32 s26;
	s26 =	sadd.s32 $0x40, s26  }
.Ltmp3:
0x7a: {  	(pc) =	sbr.rel @p1 .LBB2_4-.Ltmp3, $2  }
0x7b: {  	_ =	sdelay $0x2  }
0x7c: {  	s29 =	sshra.s32 s29, $0x2  }
0x7d: {  	[tilespmem:s29+$0x1CE80] =	vst v1  }
0x7e: {  	[spmem:s8] =	stream.linear.scatter [tilespmem:s13], [sflag:$0x1], $0x3E80, $0x38;
	[tilespmem:$0x1D380] =	vst v63  }
0x7f: {  	_ =	swait.ge [sflag:s14], $0x3E80  }
0x80: {  	[sflag:s14] =	ssyncset.done $0x0  }
0x81: {  	[sflag:s14] =	ssyncadd.s32 $0xFFFFC180  }
0x82: {  	[spmem:s9] =	stream.linear.scatter [tilespmem:s13], [sflag:$0x1], $0x3E80, $0x38;
	[tilespmem:$0x1D380] =	vst v63  }
0x83: {  	_ =	swait.ge [sflag:s14], $0x3E80  }
0x84: {  	[sflag:s14] =	ssyncset.done $0x0  }
0x85: {  	[sflag:s14] =	ssyncadd.s32 $0xFFFFC180  }
0x86: {  	[spmem:s10] =	stream.linear.scatter [tilespmem:s13], [sflag:$0x1], $0x3E80, $0x38;
	[tilespmem:$0x1D380] =	vst v63  }
0x87: {  	_ =	swait.ge [sflag:s14], $0x3E80  }
0x88: {  	[sflag:s14] =	ssyncset.done $0x0  }
0x89: {  	[sflag:s14] =	ssyncadd.s32 $0xFFFFC180  }
0x8a: {  	[spmem:s16] =	stream.linear.scatter [tilespmem:s13], [sflag:$0x1], $0x3E80, $0x38;
	[tilespmem:$0x1D380] =	vst v63  }
0x8b: {  	_ =	swait.ge [sflag:s14], $0x3E80  }
0x8c: {  	[sflag:s14] =	ssyncset.done $0x0  }
0x8d: {  	[sflag:s14] =	ssyncadd.s32 $0xFFFFC180  }
0x8e: {  	[spmem:s17] =	stream.linear.scatter [tilespmem:s13], [sflag:$0x1], $0x3E80, $0x38;
	[tilespmem:$0x1D380] =	vst v63  }
0x8f: {  	_ =	swait.ge [sflag:s14], $0x3E80  }
0x90: {  	[sflag:s14] =	ssyncset.done $0x0  }
0x91: {  	[sflag:s14] =	ssyncadd.s32 $0xFFFFC180  }
0x92: {  	[spmem:s18] =	stream.linear.scatter [tilespmem:s15], [sflag:$0x1], $0x7D0, $0x38;
	[tilespmem:$0x1D380] =	vst v63  }
0x93: {  	_ =	swait.ge [sflag:s14], $0x7D0  }
0x94: {  	[sflag:s14] =	ssyncset.done $0x0  }
0x95: {  	[sflag:s14] =	ssyncadd.s32 $0xFFFFF830  }
0x96: {  	[spmem:s25] =	stream.linear.scatter [tilespmem:s15], [sflag:$0x1], $0x7D0, $0x38;
	[tilespmem:$0x1D380] =	vst v63  }
0x97: {  	_ =	swait.ge [sflag:s14], $0x7D0  }
0x98: {  	[sflag:s14] =	ssyncset.done $0x0  }
0x99: {  	[sflag:s14] =	ssyncadd.s32 $0xFFFFF830  }
0x9a: {  	[spmem:s28] =	stream.linear.scatter [tilespmem:s15], [sflag:$0x1], $0x7D0, $0x38;
	[tilespmem:$0x1D380] =	vst v63  }
0x9b: {  	_ =	swait.ge [sflag:s14], $0x7D0  }
0x9c: {  	[sflag:s14] =	ssyncset.done $0x0  }
0x9d: {  	[sflag:s14] =	ssyncadd.s32 $0xFFFFF830  }
0x9e: {  	[spmem:s30] =	stream.linear.scatter [tilespmem:s15], [sflag:$0x1], $0x7D0, $0x38;
	[tilespmem:$0x1D380] =	vst v63  }
0x9f: {  	_ =	swait.ge [sflag:s14], $0x7D0  }
0xa0: {  	[sflag:s14] =	ssyncset.done $0x0  }
0xa1: {  	[sflag:s14] =	ssyncadd.s32 $0xFFFFF830  }
0xa2: {  	[spmem:s2] =	stream.linear.scatter [tilespmem:s15], [sflag:$0x1], $0x7D0, $0x38;
	[tilespmem:$0x1D380] =	vst v63  }
.Ltmp4:
0xa3: {  	_ =	swait.ge [sflag:s14], $0x7D0;
	(pc) =	sbr.rel @p0 .LBB2_9-.Ltmp4, $3  }
0xa4: {  	[sflag:s14] =	ssyncset.done $0x0  }
0xa5: {  	[sflag:s14] =	ssyncadd.s32 $0xFFFFF830  }
0xa6: {  	[bflag:$0x0] =	sbarrier.arrive $0xFFFF;
	_ =	sdelay $0x1  }
0xa7: {  	s26 =	sadd.s32 $0x0, s12  }
0xa8: {  	[tilespmem:s19], [sflag:$0x1] =	stream.linear.gather [hbm4b:s26+s5], $0x50, $0x38;
	[tilespmem:$0x1D380] =	vst v63  }
0xa9: {  	_ =	swait.ge [sflag:s14], $0x50  }
0xaa: {  	[sflag:s14] =	ssyncset.done $0x0  }
0xab: {  	s31 =	sadd.s32 $0x0, s11;
	[sflag:s14] =	ssyncadd.s32 $0xFFFFFFB0  }
0xac: {  	[tilespmem:s20], [sflag:$0x1] =	stream.linear.gather [hbm4b:s31+s5], $0x50, $0x38;
	[tilespmem:$0x1D380] =	vst v63  }
0xad: {  	_ =	swait.ge [sflag:s14], $0x50  }
0xae: {  	[sflag:s14] =	ssyncset.done $0x0  }
0xaf: {  	[sflag:s14] =	ssyncadd.s32 $0xFFFFFFB0  }
0xb0: {  	[tilespmem:s22], [sflag:$0x1] =	stream.indirect.gather [hbm4b:s6+s21], $0x80, s19, s21, $0xb8;
	[tilespmem:$0x1D380] =	vst v63  }
0xb1: {  	_ =	swait.ge [sflag:s14], $0x2800  }
0xb2: {  	[sflag:s14] =	ssyncset.done $0x0  }
0xb3: {  	[sflag:s14] =	ssyncadd.s32 $0xFFFFD800  }
0xb4: {  	[spmem:s3] =	stream.indirect.scatter.add.f32 [tilespmem:s22], [sflag:$0x1], $0x80, s20, s21, $0xb8;
	[tilespmem:$0x1D380] =	vst v63  }
0xb5: {  	_ =	swait.ge [sflag:s14], $0x2800  }
0xb6: {  	[sflag:s14] =	ssyncset.done $0x0  }
0xb7: {  	[sflag:s14] =	ssyncadd.s32 $0xFFFFD800  }
0xb8: {  	[spmem:s4] =	stream.indirect.scatter.add.f32 [tilespmem:s23], [sflag:$0x1], $0x10, s20, s21, $0xb8;
	[tilespmem:$0x1D380] =	vst v63  }
0xb9: {  	_ =	swait.ge [sflag:s14], $0x500  }
0xba: {  	s29 =	simm.s32 $0x14;
	s26 =	simm.s32 $0xA;
	[sflag:s14] =	ssyncset.done $0x0  }
.LBB2_7:
0xbb: {  	s31 =	sadd.s32 s26, s12  }
0xbc: {  	[sflag:s14] =	ssyncadd.s32 $0xFFFFFB00;
	s0 =	smov.u32 s29;
	s7 =	sadd.s32 $0xA, s29  }
0xbd: {  	[tilespmem:s19], [sflag:$0x1] =	stream.linear.gather [hbm4b:s31+s5], $0x50, $0x38;
	[tilespmem:$0x1D380] =	vst v63  }
0xbe: {  	p1 =	seq.s32 s29, $0x4D8;
	_ =	swait.ge [sflag:s14], $0x50  }
0xbf: {  	[sflag:s14] =	ssyncset.done $0x0  }
0xc0: {  	s29 =	sadd.s32 s26, s11;
	s26 =	smov.u32 s0;
	[sflag:s14] =	ssyncadd.s32 $0xFFFFFFB0  }
0xc1: {  	[tilespmem:s20], [sflag:$0x1] =	stream.linear.gather [hbm4b:s29+s5], $0x50, $0x38;
	[tilespmem:$0x1D380] =	vst v63  }
0xc2: {  	_ =	swait.ge [sflag:s14], $0x50  }
0xc3: {  	[sflag:s14] =	ssyncset.done $0x0  }
0xc4: {  	[sflag:s14] =	ssyncadd.s32 $0xFFFFFFB0  }
0xc5: {  	[tilespmem:s22], [sflag:$0x1] =	stream.indirect.gather [hbm4b:s6+s21], $0x80, s19, s21, $0xb8;
	[tilespmem:$0x1D380] =	vst v63  }
0xc6: {  	_ =	swait.ge [sflag:s14], $0x2800  }
0xc7: {  	[sflag:s14] =	ssyncset.done $0x0  }
0xc8: {  	[sflag:s14] =	ssyncadd.s32 $0xFFFFD800  }
0xc9: {  	[spmem:s3] =	stream.indirect.scatter.add.f32 [tilespmem:s22], [sflag:$0x1], $0x80, s20, s21, $0xb8;
	[tilespmem:$0x1D380] =	vst v63  }
0xca: {  	_ =	swait.ge [sflag:s14], $0x2800  }
.Ltmp5:
0xcb: {  	[sflag:s14] =	ssyncset.done $0x0;
	(pc) =	sbr.rel @!p1 .LBB2_7-.Ltmp5, $4  }
0xcc: {  	[sflag:s14] =	ssyncadd.s32 $0xFFFFD800  }
0xcd: {  	[spmem:s4] =	stream.indirect.scatter.add.f32 [tilespmem:s23], [sflag:$0x1], $0x10, s20, s21, $0xb8;
	[tilespmem:$0x1D380] =	vst v63  }
0xce: {  	_ =	swait.ge [sflag:s14], $0x500  }
0xcf: {  	s29 =	smov.u32 s7;
	[sflag:s14] =	ssyncset.done $0x0  }
0xd0: {  	s0 =	sadd.s32 s26, s12;
	[sflag:s14] =	ssyncadd.s32 $0xFFFFFB00  }
0xd1: {  	[tilespmem:s19], [sflag:$0x1] =	stream.linear.gather [hbm4b:s0+s5], $0x50, $0x38;
	[tilespmem:$0x1D380] =	vst v63  }
0xd2: {  	_ =	swait.ge [sflag:s14], $0x50  }
0xd3: {  	[sflag:s14] =	ssyncset.done $0x0  }
0xd4: {  	s26 =	sadd.s32 s26, s11;
	[sflag:s14] =	ssyncadd.s32 $0xFFFFFFB0  }
0xd5: {  	[tilespmem:s20], [sflag:$0x1] =	stream.linear.gather [hbm4b:s26+s5], $0x50, $0x38;
	[tilespmem:$0x1D380] =	vst v63  }
0xd6: {  	_ =	swait.ge [sflag:s14], $0x50  }
0xd7: {  	[sflag:s14] =	ssyncset.done $0x0  }
0xd8: {  	[sflag:s14] =	ssyncadd.s32 $0xFFFFFFB0  }
0xd9: {  	[tilespmem:s22], [sflag:$0x1] =	stream.indirect.gather [hbm4b:s6+s21], $0x80, s19, s21, $0xb8;
	[tilespmem:$0x1D380] =	vst v63  }
0xda: {  	_ =	swait.ge [sflag:s14], $0x2800  }
0xdb: {  	[sflag:s14] =	ssyncset.done $0x0  }
0xdc: {  	[sflag:s14] =	ssyncadd.s32 $0xFFFFD800  }
0xdd: {  	[spmem:s3] =	stream.indirect.scatter.add.f32 [tilespmem:s22], [sflag:$0x1], $0x80, s20, s21, $0xb8;
	[tilespmem:$0x1D380] =	vst v63  }
0xde: {  	_ =	swait.ge [sflag:s14], $0x2800  }
0xdf: {  	[sflag:s14] =	ssyncset.done $0x0  }
0xe0: {  	[sflag:s14] =	ssyncadd.s32 $0xFFFFD800  }
0xe1: {  	[spmem:s4] =	stream.indirect.scatter.add.f32 [tilespmem:s23], [sflag:$0x1], $0x10, s20, s21, $0xb8;
	[tilespmem:$0x1D380] =	vst v63  }
0xe2: {  	_ =	swait.ge [sflag:s14], $0x500  }
0xe3: {  	[sflag:s14] =	ssyncset.done $0x0  }
0xe4: {  	[sflag:s14] =	ssyncadd.s32 $0xFFFFFB00  }
0xe5: {  	[bflag:$0x0] =	sbarrier.arrive $0xFFFF  }
0xe6: {  	[tilespmem:s13], [sflag:$0x1] =	stream.linear.gather [spmem:s8], $0x3E80, $0x38;
	[tilespmem:$0x1D380] =	vst v63  }
0xe7: {  	_ =	swait.ge [sflag:s14], $0x3E80  }
0xe8: {  	[sflag:s14] =	ssyncset.done $0x0  }
0xe9: {  	s29 =	rddreg [dreg:$0x10];
	[sflag:s14] =	ssyncadd.s32 $0xFFFFC180  }
0xea: {  	[hbm4b:s29+s5] =	stream.linear.scatter [tilespmem:s13], [sflag:$0x1], $0x3E80, $0x38;
	[tilespmem:$0x1D380] =	vst v63  }
0xeb: {  	_ =	swait.ge [sflag:s14], $0x3E80  }
0xec: {  	[sflag:s14] =	ssyncset.done $0x0  }
0xed: {  	[sflag:s14] =	ssyncadd.s32 $0xFFFFC180  }
0xee: {  	[tilespmem:s13], [sflag:$0x1] =	stream.linear.gather [spmem:s9], $0x3E80, $0x38;
	[tilespmem:$0x1D380] =	vst v63  }
0xef: {  	_ =	swait.ge [sflag:s14], $0x3E80  }
0xf0: {  	[sflag:s14] =	ssyncset.done $0x0  }
0xf1: {  	s31 =	rddreg [dreg:$0x11];
	[sflag:s14] =	ssyncadd.s32 $0xFFFFC180  }
0xf2: {  	[hbm4b:s31+s5] =	stream.linear.scatter [tilespmem:s13], [sflag:$0x1], $0x3E80, $0x38;
	[tilespmem:$0x1D380] =	vst v63  }
0xf3: {  	_ =	swait.ge [sflag:s14], $0x3E80  }
0xf4: {  	[sflag:s14] =	ssyncset.done $0x0  }
0xf5: {  	[sflag:s14] =	ssyncadd.s32 $0xFFFFC180  }
0xf6: {  	[tilespmem:s13], [sflag:$0x1] =	stream.linear.gather [spmem:s10], $0x3E80, $0x38;
	[tilespmem:$0x1D380] =	vst v63  }
0xf7: {  	_ =	swait.ge [sflag:s14], $0x3E80  }
0xf8: {  	[sflag:s14] =	ssyncset.done $0x0  }
0xf9: {  	s7 =	rddreg [dreg:$0x12];
	[sflag:s14] =	ssyncadd.s32 $0xFFFFC180  }
0xfa: {  	[hbm4b:s7+s5] =	stream.linear.scatter [tilespmem:s13], [sflag:$0x1], $0x3E80, $0x38;
	[tilespmem:$0x1D380] =	vst v63  }
0xfb: {  	_ =	swait.ge [sflag:s14], $0x3E80  }
0xfc: {  	[sflag:s14] =	ssyncset.done $0x0  }
0xfd: {  	[sflag:s14] =	ssyncadd.s32 $0xFFFFC180  }
0xfe: {  	[tilespmem:s13], [sflag:$0x1] =	stream.linear.gather [spmem:s16], $0x3E80, $0x38;
	[tilespmem:$0x1D380] =	vst v63  }
0xff: {  	_ =	swait.ge [sflag:s14], $0x3E80  }
0x100: {  	[sflag:s14] =	ssyncset.done $0x0  }
0x101: {  	s26 =	rddreg [dreg:$0x13];
	[sflag:s14] =	ssyncadd.s32 $0xFFFFC180  }
0x102: {  	[hbm4b:s26+s5] =	stream.linear.scatter [tilespmem:s13], [sflag:$0x1], $0x3E80, $0x38;
	[tilespmem:$0x1D380] =	vst v63  }
0x103: {  	_ =	swait.ge [sflag:s14], $0x3E80  }
0x104: {  	[sflag:s14] =	ssyncset.done $0x0  }
0x105: {  	[sflag:s14] =	ssyncadd.s32 $0xFFFFC180  }
0x106: {  	[tilespmem:s13], [sflag:$0x1] =	stream.linear.gather [spmem:s17], $0x3E80, $0x38;
	[tilespmem:$0x1D380] =	vst v63  }
0x107: {  	_ =	swait.ge [sflag:s14], $0x3E80  }
0x108: {  	[sflag:s14] =	ssyncset.done $0x0  }
0x109: {  	s29 =	rddreg [dreg:$0x14];
	[sflag:s14] =	ssyncadd.s32 $0xFFFFC180  }
0x10a: {  	[hbm4b:s29+s5] =	stream.linear.scatter [tilespmem:s13], [sflag:$0x1], $0x3E80, $0x38;
	[tilespmem:$0x1D380] =	vst v63  }
0x10b: {  	_ =	swait.ge [sflag:s14], $0x3E80  }
0x10c: {  	[sflag:s14] =	ssyncset.done $0x0  }
0x10d: {  	[sflag:s14] =	ssyncadd.s32 $0xFFFFC180  }
0x10e: {  	[tilespmem:s15], [sflag:$0x1] =	stream.linear.gather [spmem:s18], $0x7D0, $0x38;
	[tilespmem:$0x1D380] =	vst v63  }
0x10f: {  	_ =	swait.ge [sflag:s14], $0x7D0  }
0x110: {  	[sflag:s14] =	ssyncset.done $0x0  }
0x111: {  	s31 =	rddreg [dreg:$0x6];
	[sflag:s14] =	ssyncadd.s32 $0xFFFFF830  }
0x112: {  	[hbm4b:s31+s5] =	stream.linear.scatter [tilespmem:s15], [sflag:$0x1], $0x7D0, $0x38;
	[tilespmem:$0x1D380] =	vst v63  }
0x113: {  	_ =	swait.ge [sflag:s14], $0x7D0  }
0x114: {  	[sflag:s14] =	ssyncset.done $0x0  }
0x115: {  	[sflag:s14] =	ssyncadd.s32 $0xFFFFF830  }
0x116: {  	[tilespmem:s15], [sflag:$0x1] =	stream.linear.gather [spmem:s25], $0x7D0, $0x38;
	[tilespmem:$0x1D380] =	vst v63  }
0x117: {  	_ =	swait.ge [sflag:s14], $0x7D0  }
0x118: {  	[sflag:s14] =	ssyncset.done $0x0  }
0x119: {  	s7 =	rddreg [dreg:$0x7];
	[sflag:s14] =	ssyncadd.s32 $0xFFFFF830  }
0x11a: {  	[hbm4b:s7+s5] =	stream.linear.scatter [tilespmem:s15], [sflag:$0x1], $0x7D0, $0x38;
	[tilespmem:$0x1D380] =	vst v63  }
0x11b: {  	_ =	swait.ge [sflag:s14], $0x7D0  }
0x11c: {  	[sflag:s14] =	ssyncset.done $0x0  }
0x11d: {  	[sflag:s14] =	ssyncadd.s32 $0xFFFFF830  }
0x11e: {  	[tilespmem:s15], [sflag:$0x1] =	stream.linear.gather [spmem:s28], $0x7D0, $0x38;
	[tilespmem:$0x1D380] =	vst v63  }
0x11f: {  	_ =	swait.ge [sflag:s14], $0x7D0  }
0x120: {  	[sflag:s14] =	ssyncset.done $0x0  }
0x121: {  	s26 =	rddreg [dreg:$0x8];
	[sflag:s14] =	ssyncadd.s32 $0xFFFFF830  }
0x122: {  	[hbm4b:s26+s5] =	stream.linear.scatter [tilespmem:s15], [sflag:$0x1], $0x7D0, $0x38;
	[tilespmem:$0x1D380] =	vst v63  }
0x123: {  	_ =	swait.ge [sflag:s14], $0x7D0  }
0x124: {  	[sflag:s14] =	ssyncset.done $0x0  }
0x125: {  	[sflag:s14] =	ssyncadd.s32 $0xFFFFF830  }
0x126: {  	[tilespmem:s15], [sflag:$0x1] =	stream.linear.gather [spmem:s30], $0x7D0, $0x38;
	[tilespmem:$0x1D380] =	vst v63  }
0x127: {  	_ =	swait.ge [sflag:s14], $0x7D0  }
0x128: {  	[sflag:s14] =	ssyncset.done $0x0  }
0x129: {  	s29 =	rddreg [dreg:$0x9];
	[sflag:s14] =	ssyncadd.s32 $0xFFFFF830  }
0x12a: {  	[hbm4b:s29+s5] =	stream.linear.scatter [tilespmem:s15], [sflag:$0x1], $0x7D0, $0x38;
	[tilespmem:$0x1D380] =	vst v63  }
0x12b: {  	_ =	swait.ge [sflag:s14], $0x7D0  }
0x12c: {  	[sflag:s14] =	ssyncset.done $0x0  }
0x12d: {  	[sflag:s14] =	ssyncadd.s32 $0xFFFFF830  }
0x12e: {  	[tilespmem:s15], [sflag:$0x1] =	stream.linear.gather [spmem:s2], $0x7D0, $0x38;
	[tilespmem:$0x1D380] =	vst v63  }
0x12f: {  	_ =	swait.ge [sflag:s14], $0x7D0  }
0x130: {  	[sflag:s14] =	ssyncset.done $0x0  }
.Ltmp6:
0x131: {  	s31 =	rddreg [dreg:$0xa];
	[sflag:s14] =	ssyncadd.s32 $0xFFFFF830;
	(pc) =	sbr.rel .LBB2_12-.Ltmp6, $4  }
0x132: {  	[hbm4b:s31+s5] =	stream.linear.scatter [tilespmem:s15], [sflag:$0x1], $0x7D0, $0x38;
	[tilespmem:$0x1D380] =	vst v63  }
0x133: {  	_ =	swait.ge [sflag:s14], $0x7D0  }
0x134: {  	[sflag:s14] =	ssyncset.done $0x0  }
0x135: {  	[sflag:s14] =	ssyncadd.s32 $0xFFFFF830  }
.LBB2_9:
0x136: {  	s0 =	sadd.s32 $0x0, s12  }
0x137: {  	[tilespmem:s19], [sflag:$0x1] =	stream.linear.gather [hbm4b:s0+s5], $0x50, $0x38;
	[tilespmem:$0x1D380] =	vst v63  }
0x138: {  	_ =	swait.ge [sflag:s14], $0x50  }
0x139: {  	[sflag:s14] =	ssyncset.done $0x0  }
0x13a: {  	s31 =	sadd.s32 $0x0, s11;
	[sflag:s14] =	ssyncadd.s32 $0xFFFFFFB0  }
0x13b: {  	[tilespmem:s20], [sflag:$0x1] =	stream.linear.gather [hbm4b:s31+s5], $0x50, $0x38;
	[tilespmem:$0x1D380] =	vst v63  }
0x13c: {  	_ =	swait.ge [sflag:s14], $0x50  }
0x13d: {  	[sflag:s14] =	ssyncset.done $0x0  }
0x13e: {  	[sflag:s14] =	ssyncadd.s32 $0xFFFFFFB0  }
0x13f: {  	[tilespmem:s22], [sflag:$0x1] =	stream.indirect.gather [hbm4b:s1+s21], $0x80, s19, s21, $0xb8;
	[tilespmem:$0x1D380] =	vst v63  }
0x140: {  	_ =	swait.ge [sflag:s14], $0x2800  }
0x141: {  	[sflag:s14] =	ssyncset.done $0x0  }
0x142: {  	[sflag:s14] =	ssyncadd.s32 $0xFFFFD800  }
0x143: {  	[spmem:s3] =	stream.indirect.scatter.add.f32 [tilespmem:s22], [sflag:$0x1], $0x80, s20, s21, $0xb8;
	[tilespmem:$0x1D380] =	vst v63  }
0x144: {  	_ =	swait.ge [sflag:s14], $0x2800  }
0x145: {  	[sflag:s14] =	ssyncset.done $0x0  }
0x146: {  	[sflag:s14] =	ssyncadd.s32 $0xFFFFD800  }
0x147: {  	[spmem:s4] =	stream.indirect.scatter.add.f32 [tilespmem:s23], [sflag:$0x1], $0x10, s20, s21, $0xb8;
	[tilespmem:$0x1D380] =	vst v63  }
0x148: {  	_ =	swait.ge [sflag:s14], $0x500  }
0x149: {  	s26 =	simm.s32 $0xA;
	s29 =	simm.s32 $0x14;
	[sflag:s14] =	ssyncset.done $0x0  }
.LBB2_10:
0x14a: {  	s0 =	sadd.s32 s26, s12  }
0x14b: {  	[sflag:s14] =	ssyncadd.s32 $0xFFFFFB00;
	s7 =	smov.u32 s29;
	s31 =	sadd.s32 $0xA, s29  }
0x14c: {  	[tilespmem:s19], [sflag:$0x1] =	stream.linear.gather [hbm4b:s0+s5], $0x50, $0x38;
	[tilespmem:$0x1D380] =	vst v63  }
0x14d: {  	p1 =	seq.s32 s29, $0x4D8;
	_ =	swait.ge [sflag:s14], $0x50  }
0x14e: {  	[sflag:s14] =	ssyncset.done $0x0  }
0x14f: {  	s0 =	sadd.s32 s26, s11;
	s26 =	smov.u32 s7;
	[sflag:s14] =	ssyncadd.s32 $0xFFFFFFB0  }
0x150: {  	[tilespmem:s20], [sflag:$0x1] =	stream.linear.gather [hbm4b:s0+s5], $0x50, $0x38;
	[tilespmem:$0x1D380] =	vst v63  }
0x151: {  	_ =	swait.ge [sflag:s14], $0x50  }
0x152: {  	[sflag:s14] =	ssyncset.done $0x0  }
0x153: {  	[sflag:s14] =	ssyncadd.s32 $0xFFFFFFB0  }
0x154: {  	[tilespmem:s22], [sflag:$0x1] =	stream.indirect.gather [hbm4b:s1+s21], $0x80, s19, s21, $0xb8;
	[tilespmem:$0x1D380] =	vst v63  }
0x155: {  	_ =	swait.ge [sflag:s14], $0x2800  }
0x156: {  	[sflag:s14] =	ssyncset.done $0x0  }
0x157: {  	[sflag:s14] =	ssyncadd.s32 $0xFFFFD800  }
0x158: {  	[spmem:s3] =	stream.indirect.scatter.add.f32 [tilespmem:s22], [sflag:$0x1], $0x80, s20, s21, $0xb8;
	[tilespmem:$0x1D380] =	vst v63  }
0x159: {  	_ =	swait.ge [sflag:s14], $0x2800  }
.Ltmp7:
0x15a: {  	[sflag:s14] =	ssyncset.done $0x0;
	(pc) =	sbr.rel @!p1 .LBB2_10-.Ltmp7, $4  }
0x15b: {  	[sflag:s14] =	ssyncadd.s32 $0xFFFFD800  }
0x15c: {  	[spmem:s4] =	stream.indirect.scatter.add.f32 [tilespmem:s23], [sflag:$0x1], $0x10, s20, s21, $0xb8;
	[tilespmem:$0x1D380] =	vst v63  }
0x15d: {  	_ =	swait.ge [sflag:s14], $0x500  }
0x15e: {  	s29 =	smov.u32 s31;
	[sflag:s14] =	ssyncset.done $0x0  }
.Ltmp8:
0x15f: {  	_ = 	snop;
	(pc) =	sbr.rel .LBB2_11-.Ltmp8, $1  }
0x160: {  	_ =	sdelay $0x3  }
.LBB2_13:
0x161: {  	_ =	sfence.sel $0x180000  }
0x162: {  	[bflag:$0x0] =	sbarrier.arrive $0xFFFF  }
0x163: {  	_ =	strace $0x90000047  }
0x164: {  	s0 =	stileid.u32;
	[bflag:$0x2] =	sbarrier.arrive $0xFFFF  }
0x165: {  	p0 =	sne.s32 s0, $0x0;
	s0 =	rddreg [dreg:$0x4]  }
0x166: {  	s0 =	sadd.s32 @!p0 $0x100000, s0  }
0x167: {  	[sflag:s0] =	ssyncadd.tile.s32 @!p0 $0x1;
	_ =	shalt  }
.Lfunc_end2:
_tile_overlayer_lowered:
.L_overlay_start_2:
0x168: {  	(tag) =	ssettag $0x2  }
0x169: {  	s0 =	rddreg [dreg:$0x0];
	s2 =	stileid.u32  }
0x16a: {  	s1 =	rddreg [dreg:$0x1];
	p0 =	sne.s32 s2, $0x0  }
0x16b: {  	s3 =	rddreg [dreg:$0x2];
	[bflag:$0x3] =	sbarrier.arrive $0xFFFF;
	s2 =	simm.s32 @!p0 $0x1C01  }
0x16c: {  	[timem:s3], [sflag:s2] =	dma.local @!p0 [hbm:s0], s1  }
0x16d: {  	s0 =	simm.s32 @!p0 $0x1  }
0x16e: {  	_ =	swait.ge @!p0 [sflag:s0], s1  }
0x16f: {  	s1 =	ssub.s32 @!p0 $0x0, s1;
	[sflag:s0] =	ssyncset.done @!p0 $0x0  }
0x170: {  	[sflag:s0] =	ssyncadd.s32 @!p0 s1  }
0x171: {  	[bflag:$0x3] =	sbarrier.arrive $0xFFFF  }
0x172: {  	_ =	shalt  }

// kernel: kernel.9.cloned.1.call-start
scs
__scs_entry_jumppad:
0x0: {  	(pc) =	sbr.rel $0x88, $3  }
0x1: {  	(tag) =	ssettag $0x0;
	lr =	simm.s32 $0x1  }
0x2: {  	[smem:$0x3F99] =	sst lr;
	_ =	strace $0xD0000000  }
0x3: {  	_ = 	snop  }
0x4: {  	_ = 	snop  }
0x5: {  	_ = 	snop  }
0x6: {  	_ = 	snop  }
0x7: {  	_ = 	snop  }
__scs_overlays_trampoline_lowered:
0x8: {  	[smem:$0x3FA8] =	sst s0  }
0x9: {  	[smem:$0x3FA9] =	sst s1  }
0xa: {  	[smem:$0x3FAA] =	sst s2  }
0xb: {  	[smem:$0x3FAB] =	sst s3  }
0xc: {  	[smem:$0x3FAC] =	sst s4  }
0xd: {  	[smem:$0x3FAD] =	sst s5  }
0xe: {  	[smem:$0x3FAE] =	sst s6  }
0xf: {  	[smem:$0x3FAF] =	sst s7  }
0x10: {  	[smem:$0x3FB0] =	sst s8  }
0x11: {  	[smem:$0x3FB1] =	sst s9;
	s0 =	simm.s32 @!p0 $0x0  }
0x12: {  	s1 =	sld [smem:$0x3F97];
	s0 =	simm.s32 @p0 $0x1  }
0x13: {  	[smem:$0x3FB2] =	sst s0;
	s0 =	simm.s32 @!p1 $0x0  }
0x14: {  	s2 =	sld [smem:$0x3F96];
	s0 =	simm.s32 @p1 $0x1  }
0x15: {  	[smem:$0x3FB3] =	sst s0;
	s0 =	simm.s32 @!p2 $0x0  }
0x16: {  	s3 =	sld [smem:$0x3FDB];
	s0 =	simm.s32 @p2 $0x1  }
0x17: {  	s4 =	simm.s32 $0x1BF5;
	[smem:$0x3FB5] =	sst s0  }
0x18: {  	s0 =	sld [smem:$0x3F98];
	_ =	swait.ge [sflag:s4], $0x0  }
0x19: {  	s7 =	sld [smem:$0x3F99]  }
0x1a: {  	s8 =	sadd.s32 $0xFFFFE003, lr  }
0x1b: {  	s9 =	sadd.s32 $0xFFFFFEF7, lr;
	s5 =	simm.s32 $0xFFFFFFFF;
	p2 =	slt.u32 s8, $0xFFFFF086  }
0x1c: {  	p1 =	slt.u32 s9, $0xF7A;
	s5 =	simm.s32 @!p2 $0x0  }
0x1d: {  	s5 =	simm.s32 @p1 $0x1;
	p0 =	seq.s32 s7, s2  }
0x1e: {  	s7 =	smul.u32 @!p0 $0xF7A, s2;
	p2 =	seq.s32 @!p0 s5, $0x0  }
0x1f: {  	s9 =	smul.u32 $0xF7A, s1;
	s8 =	simm.s32 @!p0 $0x1BF5;
	p2 =	por !p2, p0  }
0x20: {  	[sflag:s8] =	ssyncset.s32 @!p0 $0xFFFFF086;
	s6 =	sadd.s32 @!p0 s3, s7;
	s7 =	simm.s32 @!p0 $0x108  }
0x21: {  	s3 =	sadd.s32 s3, s9;
	s6 =	sadd.s32 @!p0 $0x88, s6;
	s7 =	simm.s32 @p2 $0x1082  }
0x22: {  	[simem:s7], [sflag:s8] =	dma.local @!p0 [hbm:s6], $0xF7A  }
0x23: {  	s9 =	sor.u32 $0xD0000000, s2;
	s6 =	simm.s32 $0x108;
	_ =	swait.ge @!p0 [sflag:s8], $0x0  }
0x24: {  	s3 =	sadd.s32 $0x88, s3;
	s6 =	simm.s32 @!p1 $0x1082;
	[sflag:s4] =	ssyncset.s32 $0xFFFFF086  }
0x25: {  	[simem:s6], [sflag:s4] =	dma.local [hbm:s3], $0xF7A  }
0x26: {  	[smem:$0x3F99] =	sst s1;
	(tag) =	ssettag s2;
	_ =	strace s9  }
0x27: {  	s1 =	sld [smem:$0x3FA9]  }
0x28: {  	s2 =	sld [smem:$0x3FAA]  }
0x29: {  	s4 =	sld [smem:$0x3FAC]  }
0x2a: {  	p0 =	seq.s32 s5, $0x0;
	s5 =	sld [smem:$0x3FAD]  }
0x2b: {  	s6 =	sld [smem:$0x3FAE]  }
0x2c: {  	s7 =	sld [smem:$0x3FAF]  }
0x2d: {  	s3 =	simm.s32 $0x108;
	s8 =	sld [smem:$0x3FB0]  }
0x2e: {  	s3 =	simm.s32 @!p0 $0x1082;
	s9 =	sld [smem:$0x3FB1]  }
0x2f: {  	lr =	sadd.s32 s0, s3;
	s0 =	sld [smem:$0x3FA8]  }
0x30: {  	s3 =	sld [smem:$0x3FAB]  }
0x31: {  	[smem:$0x3FB4] =	sst s10  }
0x32: {  	s10 =	sld [smem:$0x3FB2];
	_ =	sdelay $0x3  }
0x33: {  	p0 =	seq.s32 s10, $0x1;
	s10 =	sld [smem:$0x3FB4];
	_ =	sdelay $0x3  }
0x34: {  	[smem:$0x3FB4] =	sst s10  }
0x35: {  	s10 =	sld [smem:$0x3FB3];
	_ =	sdelay $0x3  }
0x36: {  	p1 =	seq.s32 s10, $0x1;
	s10 =	sld [smem:$0x3FB4];
	_ =	sdelay $0x3  }
0x37: {  	[smem:$0x3FB4] =	sst s10  }
0x38: {  	s10 =	sld [smem:$0x3FB5]  }
0x39: {  	_ = 	snop;
	(pc) =	sbr.ind lr, $3  }
0x3a: {  	_ = 	snop  }
0x3b: {  	_ = 	snop  }
0x3c: {  	p2 =	seq.s32 s10, $0x1;
	s10 =	sld [smem:$0x3FB4]  }
0x3d: {  	_ =	shalt  }
0x3e: {  	_ =	shalt  }
0x3f: {  	_ =	shalt  }
0x40: {  	_ =	shalt  }
0x41: {  	_ =	shalt  }
0x42: {  	_ =	shalt  }
0x43: {  	_ =	shalt  }
0x44: {  	_ =	shalt  }
0x45: {  	_ =	shalt  }
0x46: {  	_ =	shalt  }
0x47: {  	_ =	shalt  }
0x48: {  	_ =	shalt  }
0x49: {  	_ =	shalt  }
0x4a: {  	_ =	shalt  }
0x4b: {  	_ =	shalt  }
0x4c: {  	_ =	shalt  }
0x4d: {  	_ =	shalt  }
0x4e: {  	_ =	shalt  }
0x4f: {  	_ =	shalt  }
0x50: {  	_ =	shalt  }
0x51: {  	_ =	shalt  }
0x52: {  	_ =	shalt  }
0x53: {  	_ =	shalt  }
0x54: {  	_ =	shalt  }
0x55: {  	_ =	shalt  }
0x56: {  	_ =	shalt  }
0x57: {  	_ =	shalt  }
0x58: {  	_ =	shalt  }
0x59: {  	_ =	shalt  }
0x5a: {  	_ =	shalt  }
0x5b: {  	_ =	shalt  }
0x5c: {  	_ =	shalt  }
0x5d: {  	_ =	shalt  }
0x5e: {  	_ =	shalt  }
0x5f: {  	_ =	shalt  }
0x60: {  	_ =	shalt  }
0x61: {  	_ =	shalt  }
0x62: {  	_ =	shalt  }
0x63: {  	_ =	shalt  }
0x64: {  	_ =	shalt  }
0x65: {  	_ =	shalt  }
0x66: {  	_ =	shalt  }
0x67: {  	_ =	shalt  }
0x68: {  	_ =	shalt  }
0x69: {  	_ =	shalt  }
0x6a: {  	_ =	shalt  }
0x6b: {  	_ =	shalt  }
0x6c: {  	_ =	shalt  }
0x6d: {  	_ =	shalt  }
0x6e: {  	_ =	shalt  }
0x6f: {  	_ =	shalt  }
0x70: {  	_ =	shalt  }
0x71: {  	_ =	shalt  }
0x72: {  	_ =	shalt  }
0x73: {  	_ =	shalt  }
0x74: {  	_ =	shalt  }
0x75: {  	_ =	shalt  }
0x76: {  	_ =	shalt  }
0x77: {  	_ =	shalt  }
0x78: {  	_ =	shalt  }
0x79: {  	_ =	shalt  }
0x7a: {  	_ =	shalt  }
0x7b: {  	_ =	shalt  }
0x7c: {  	_ =	shalt  }
0x7d: {  	_ =	shalt  }
0x7e: {  	_ =	shalt  }
0x7f: {  	_ =	shalt  }
0x80: {  	_ =	shalt  }
0x81: {  	_ =	shalt  }
0x82: {  	_ =	shalt  }
0x83: {  	_ =	shalt  }
0x84: {  	_ =	shalt  }
0x85: {  	_ =	shalt  }
0x86: {  	_ =	shalt  }
0x87: {  	_ =	shalt  }
.Lfunc_end0:
.L_simem_size_0:
called_computation.1_lowered:
.L_overlay_start_0:
0x88: {  	s2 =	sld [smem:$0x3FD9]  }
0x89: {  	s3 =	sld [smem:$0x3FFE];
	_ =	sdelay $0x1  }
0x8a: {  	s1 =	srdreg.scid  }
0x8b: {  	s0 =	sand.u32 $0x1, s1  }
0x8c: {  	s16 =	sshll.u32 s0, $0xA;
	s2 =	sadd.s32 s3, s2  }
0x8d: {  	s2 =	sadd.s32 s2, s16  }
0x8e: {  	[smem:$0x3FC0] =	sst s2  }
0x8f: {  	_ = 	snop  }
0x90: {  	(tm) =	ssettm $0x1  }
0x91: {  	s17 =	sld [smem:$0x3FFB];
	_ =	sdelay $0x3  }
0x92: {  	_ =	strace s17  }
0x93: {  	s2 =	sld [smem:$0x3FFC];
	_ =	sdelay $0x3  }
0x94: {  	_ =	strace s2  }
0x95: {  	s2 =	sld [smem:$0x3FFD];
	_ =	sdelay $0x3  }
0x96: {  	_ =	strace s2  }
0x97: {  	_ =	strace $0x8FFFFFFF  }
0x98: {  	s18 =	sld [smem:$0x3FDB];
	_ =	sdelay $0x1  }
0x99: {  	s19 =	simm.s32 $_scs_section_size  }
0x9a: {  	s4 =	simm.s32 $_size__tile_overlayer_lowered;
	s5 =	simm.s32 $_tile_overlayer_lowered  }
0x9b: {  	s22 =	simm.s32 $0x1BFF;
	s21 =	sshll.u32 s5, $0x1;
	s2 =	sadd.s32 s19, s18  }
0x9c: {  	s6 =	simm.s32 $0x0;
	s20 =	sshll.u32 s4, $0x1;
	s4 =	sadd.s32 s21, s2  }
0x9d: {  	[timem:s6], [sflag:s22] =	dma.local [hbm:s4], s20  }
0x9e: {  	_ =	swait.ge [sflag:s22], s20  }
0x9f: {  	s3 =	ssub.s32 $0x0, s20;
	[sflag:s22] =	ssyncset.done $0x0  }
0xa0: {  	[sflag:s22] =	ssyncadd.s32 s3;
	_ =	sdelay $0x1  }
0xa1: {  	s23 =	simm.s32 $0x1B8B  }
0xa2: {  	_ =	swait.ge [sflag:s23], $0x1  }
0xa3: {  	[sflag:s23] =	ssyncset.done $0x0  }
0xa4: {  	s25 =	simm.s32 $0x1B8E;
	s24 =	sld [smem:$0x3FFE];
	[sflag:s23] =	ssyncadd.s32 $0xFFFFFFFF  }
0xa5: {  	s26 =	simm.s32 $execute0_lowered;
	[smem:$0x3FD2] =	sst s25  }
0xa6: {  	s4 =	sshll.u32 s26, $0x1;
	_ =	strace $0x80000049;
	[dreg:$0x1] =	wrdreg $0xFFFFFFFF  }
0xa7: {  	s28 =	simm.s32 $_size_execute0_lowered;
	s2 =	sadd.s32 s2, s4;
	[dreg:$0x0] =	wrdreg $0x0  }
0xa8: {  	s4 =	sshll.u32 s28, $0x1;
	[dreg:$0x2] =	wrdreg s2  }
0xa9: {  	[dreg:$0x3] =	wrdreg s4  }
0xaa: {  	[dreg:$0x4] =	wrdreg $0xC0  }
0xab: {  	_ =	task [dreg:s6], $0x5FFFF  }
0xac: {  	[dreg:$0x1] =	wrdreg $0xFFFFFFFF  }
0xad: {  	[dreg:$0x0] =	wrdreg $0x60  }
0xae: {  	[dreg:$0x2] =	wrdreg s24  }
0xaf: {  	[dreg:$0x3] =	wrdreg $0x0  }
0xb0: {  	[dreg:$0x4] =	wrdreg $0x138800  }
0xb1: {  	[dreg:$0x5] =	wrdreg $0x9  }
0xb2: {  	_ =	task.clear_ibuf [dreg:s6], $0x6FFFF;
	_ =	strace $0x90000049  }
0xb3: {  	s29 =	simm.s32 $0x9;
	_ =	strace $0x8000004B  }
0xb4: {  	_ =	swait.ge [sflag:s29], $0x1  }
0xb5: {  	[sflag:s29] =	ssyncadd.s32 $0xFFFFFFFF  }
0xb6: {  	_ =	strace $0x9000004B  }
0xb7: {  	_ =	sfence  }
0xb8: {  	s30 =	sld [smem:$0x0];
	_ =	sdelay $0x2  }
0xb9: {  	s31 =	sshll.u32 s1, $0xD;
	s1 =	sshrl.u32 s1, $0x2  }
0xba: {  	s3 =	sand.u32 $0x4000, s31;
	s1 =	sadd.s32 s1, s30  }
0xbb: {  	s0 =	sor.u32 s3, s0;
	s1 =	sshll.u32 s1, $0x11  }
0xbc: {  	s0 =	sor.u32 s1, s0  }
0xbd: {  	s0 =	sadd.s32 $0x8F2B, s0  }
0xbe: {  	[sflag:s0] =	ssyncadd.remote.s32 $0x1  }
0xbf: {  	_ =	sfence.sel $0xFFFF  }
0xc0: {  	[dreg:$0x0] =	wrdreg $0xFFFFFFFF;
	(pc) =	sbr.abs _section_cstart, $3  }
0xc1: {  	[dreg:$0x1] =	wrdreg $0xFFFFFFFF  }
0xc2: {  	_ =	task.clear_ibuf [dreg:s6], $0x2FFFF;
	_ =	strace $0x9FFFFFFF  }
0xc3: {  	(tm) =	ssettm $0x7FFFFFFF  }
tec
execute0_lowered:
.L_overlay_start_1:
0x0: {  	(tag) =	ssettag $0x1  }
0x1: {  	s0 =	rddreg [dreg:$0x0]  }
0x2: {  	s1 =	rddreg [dreg:$0x1]  }
0x3: {  	s3 =	rddreg [dreg:$0x2]  }
0x4: {  	s4 =	simm.s32 $0x0;
	s18 =	stileid.u32;
	s2 =	srdreg.scid  }
0x5: {  	[smem:$0x7FF] =	sst s4;
	s11 =	smul.u32 $0x4E2, s18;
	s2 =	sand.u32 $0x1, s2  }
0x6: {  	s5 =	sadd.s32 $0x5AE00, s0;
	s6 =	sadd.s32 $0x82000, s0;
	s13 =	smul.u32 $0x271, s18  }
0x7: {  	s14 =	sadd.s32 $0xAE200, s0;
	s29 =	smul.u32 $0x4E200, s18;
	s15 =	sadd.s32 $0xD5400, s0  }
0x8: {  	s26 =	smul.u32 $0x9C40, s18;
	_ =	strace $0x8000004A;
	s7 =	ssub.s32 $0x2, s2  }
0x9: {  	p0 =	sne.s32 s2, $0x0;
	s12 =	sadd.s32 s11, s0;
	s8 =	sshrl.u32 s7, $0x1  }
0xa: {  	s0 =	sadd.s32 $0xA9200, s0;
	s19 =	sadd.s32 $0x7D, s13;
	s20 =	sadd.s32 $0xFA, s13  }
0xb: {  	s21 =	sadd.s32 $0x177, s13;
	s13 =	sadd.s32 $0x1F4, s13;
	s7 =	ssub.s32 s7, s8  }
0xc: {  	s8 =	sshrl.u32 s29, $0x2;
	s9 =	sshll.u32 s19, $0x7;
	s10 =	sshll.u32 s20, $0x7  }
0xd: {  	s16 =	sshll.u32 s21, $0x7;
	s17 =	sshll.u32 s19, $0x1;
	s31 =	sadd.s32 s0, s11  }
0xe: {  	s23 =	sshll.u32 s21, $0x1;
	s24 =	sshll.u32 s13, $0x1;
	s29 =	sshll.u32 s13, $0x7  }
0xf: {  	s13 =	sshll.u32 s13, $0x4;
	s7 =	smax.u32 s7, $0x1;
	s8 =	sadd.s32 s8, s1  }
0x10: {  	s9 =	sadd.s32 s9, s1;
	s10 =	sadd.s32 s10, s1;
	[dreg:$0x5] =	wrdreg s31  }
0x11: {  	s11 =	sadd.s32 s0, s17;
	s17 =	sshll.u32 s20, $0x1;
	[dreg:$0x4] =	wrdreg s7  }
0x12: {  	s25 =	sadd.s32 s0, s23;
	s16 =	sadd.s32 s16, s1;
	[dreg:$0x6] =	wrdreg s11  }
0x13: {  	s31 =	smul.u32 $0x2710, s18;
	s22 =	sadd.s32 s0, s17;
	[dreg:$0x8] =	wrdreg s25  }
0x14: {  	s0 =	sadd.s32 s0, s24;
	s17 =	sadd.s32 s29, s1;
	s11 =	sshll.u32 s19, $0x4  }
0x15: {  	s19 =	sshll.u32 s20, $0x4;
	s20 =	sshll.u32 s21, $0x4;
	[dreg:$0x7] =	wrdreg s22  }
0x16: {  	s25 =	sadd.s32 s15, s13;
	[dreg:$0x9] =	wrdreg s0;
	s0 =	sshrl.u32 s26, $0x2  }
0x17: {  	s21 =	sadd.s32 s15, s31;
	s22 =	sadd.s32 s15, s11;
	[dreg:$0xe] =	wrdreg s25  }
0x18: {  	s23 =	sadd.s32 s15, s19;
	s24 =	sadd.s32 s15, s20;
	[dreg:$0xa] =	wrdreg s21  }
0x19: {  	s2 =	sadd.s32 s14, s31;
	s25 =	sadd.s32 s11, s3;
	[dreg:$0xb] =	wrdreg s22  }
0x1a: {  	s28 =	sadd.s32 s19, s3;
	s26 =	sadd.s32 s14, s19;
	[dreg:$0xc] =	wrdreg s23  }
0x1b: {  	s30 =	sadd.s32 s20, s3;
	s29 =	sadd.s32 s14, s20;
	[dreg:$0xd] =	wrdreg s24  }
0x1c: {  	s31 =	sadd.s32 s14, s13;
	s15 =	simm.s32 $0x19E10;
	[dreg:$0xf] =	wrdreg s2  }
0x1d: {  	s19 =	simm.s32 $0x1CDE0;
	s20 =	simm.s32 $0x1CE30;
	[dreg:$0x11] =	wrdreg s26  }
.Ltmp0:
0x1e: {  	s18 =	sadd.s32 s0, s3;
	[dreg:$0x12] =	wrdreg s29;
	(pc) =	sbr.rel .LBB2_1-.Ltmp0, $4  }
0x1f: {  	s0 =	sadd.s32 s14, s11;
	[dreg:$0x13] =	wrdreg s31;
	s2 =	sadd.s32 s13, s3  }
0x20: {  	s11 =	sadd.s32 $0x2C00, s12;
	s12 =	sadd.s32 $0x7C00, s12;
	s13 =	simm.s32 $0x15F90  }
0x21: {  	s14 =	simm.s32 $0x1;
	s21 =	simm.s32 $0x50;
	s22 =	simm.s32 $0x1A5E0  }
0x22: {  	v0 =	vimm.f32 $0.0e+00;
	v1 =	vimm.f32 $1.000000000e+00;
	s23 =	simm.s32 $0x1CE80;
	s24 =	simm.s32 $0x0;
	[dreg:$0x10] =	wrdreg s0  }
.LBB2_11:
0x23: {  	s0 =	sadd.s32 s26, s12;
	[sflag:s14] =	ssyncadd.s32 $0xFFFFFB00  }
0x24: {  	[tilespmem:s19], [sflag:$0x1] =	stream.linear.gather [hbm4b:s0+s4], $0x50, $0x38;
	[tilespmem:$0x1D380] =	vst v63  }
0x25: {  	_ =	swait.ge [sflag:s14], $0x50  }
0x26: {  	[sflag:s14] =	ssyncset.done $0x0  }
0x27: {  	s29 =	sadd.s32 s26, s11;
	[sflag:s14] =	ssyncadd.s32 $0xFFFFFFB0  }
0x28: {  	[tilespmem:s20], [sflag:$0x1] =	stream.linear.gather [hbm4b:s29+s4], $0x50, $0x38;
	[tilespmem:$0x1D380] =	vst v63  }
0x29: {  	_ =	swait.ge [sflag:s14], $0x50  }
0x2a: {  	[sflag:s14] =	ssyncset.done $0x0  }
0x2b: {  	[sflag:s14] =	ssyncadd.s32 $0xFFFFFFB0  }
0x2c: {  	[tilespmem:s22], [sflag:$0x1] =	stream.indirect.gather [hbm4b:s6+s21], $0x80, s19, s21, $0xb8;
	[tilespmem:$0x1D380] =	vst v63  }
0x2d: {  	_ =	swait.ge [sflag:s14], $0x2800  }
0x2e: {  	[sflag:s14] =	ssyncset.done $0x0  }
0x2f: {  	[sflag:s14] =	ssyncadd.s32 $0xFFFFD800  }
0x30: {  	[spmem:s1] =	stream.indirect.scatter.add.f32 [tilespmem:s22], [sflag:$0x1], $0x80, s20, s21, $0xb8;
	[tilespmem:$0x1D380] =	vst v63  }
0x31: {  	_ =	swait.ge [sflag:s14], $0x2800  }
0x32: {  	[sflag:s14] =	ssyncset.done $0x0  }
0x33: {  	[sflag:s14] =	ssyncadd.s32 $0xFFFFD800  }
0x34: {  	[spmem:s3] =	stream.indirect.scatter.add.f32 [tilespmem:s23], [sflag:$0x1], $0x10, s20, s21, $0xb8;
	[tilespmem:$0x1D380] =	vst v63  }
0x35: {  	_ =	swait.ge [sflag:s14], $0x500  }
0x36: {  	[sflag:s14] =	ssyncset.done $0x0  }
0x37: {  	[sflag:s14] =	ssyncadd.s32 $0xFFFFFB00  }
0x38: {  	[bflag:$0x0] =	sbarrier.arrive $0xFFFF  }
0x39: {  	[tilespmem:s13], [sflag:$0x1] =	stream.linear.gather [spmem:s8], $0x3E80, $0x38;
	[tilespmem:$0x1D380] =	vst v63  }
0x3a: {  	_ =	swait.ge [sflag:s14], $0x3E80  }
0x3b: {  	[sflag:s14] =	ssyncset.done $0x0  }
0x3c: {  	s31 =	rddreg [dreg:$0xa];
	[sflag:s14] =	ssyncadd.s32 $0xFFFFC180  }
0x3d: {  	[hbm4b:s31+s4] =	stream.linear.scatter [tilespmem:s13], [sflag:$0x1], $0x3E80, $0x38;
	[tilespmem:$0x1D380] =	vst v63  }
0x3e: {  	_ =	swait.ge [sflag:s14], $0x3E80  }
0x3f: {  	[sflag:s14] =	ssyncset.done $0x0  }
0x40: {  	[sflag:s14] =	ssyncadd.s32 $0xFFFFC180  }
0x41: {  	[tilespmem:s13], [sflag:$0x1] =	stream.linear.gather [spmem:s9], $0x3E80, $0x38;
	[tilespmem:$0x1D380] =	vst v63  }
0x42: {  	_ =	swait.ge [sflag:s14], $0x3E80  }
0x43: {  	[sflag:s14] =	ssyncset.done $0x0  }
0x44: {  	s7 =	rddreg [dreg:$0xb];
	[sflag:s14] =	ssyncadd.s32 $0xFFFFC180  }
0x45: {  	[hbm4b:s7+s4] =	stream.linear.scatter [tilespmem:s13], [sflag:$0x1], $0x3E80, $0x38;
	[tilespmem:$0x1D380] =	vst v63  }
0x46: {  	_ =	swait.ge [sflag:s14], $0x3E80  }
0x47: {  	[sflag:s14] =	ssyncset.done $0x0  }
0x48: {  	[sflag:s14] =	ssyncadd.s32 $0xFFFFC180  }
0x49: {  	[tilespmem:s13], [sflag:$0x1] =	stream.linear.gather [spmem:s10], $0x3E80, $0x38;
	[tilespmem:$0x1D380] =	vst v63  }
0x4a: {  	_ =	swait.ge [sflag:s14], $0x3E80  }
0x4b: {  	[sflag:s14] =	ssyncset.done $0x0  }
0x4c: {  	s26 =	rddreg [dreg:$0xc];
	[sflag:s14] =	ssyncadd.s32 $0xFFFFC180  }
0x4d: {  	[hbm4b:s26+s4] =	stream.linear.scatter [tilespmem:s13], [sflag:$0x1], $0x3E80, $0x38;
	[tilespmem:$0x1D380] =	vst v63  }
0x4e: {  	_ =	swait.ge [sflag:s14], $0x3E80  }
0x4f: {  	[sflag:s14] =	ssyncset.done $0x0  }
0x50: {  	[sflag:s14] =	ssyncadd.s32 $0xFFFFC180  }
0x51: {  	[tilespmem:s13], [sflag:$0x1] =	stream.linear.gather [spmem:s16], $0x3E80, $0x38;
	[tilespmem:$0x1D380] =	vst v63  }
0x52: {  	_ =	swait.ge [sflag:s14], $0x3E80  }
0x53: {  	[sflag:s14] =	ssyncset.done $0x0  }
0x54: {  	s29 =	rddreg [dreg:$0xd];
	[sflag:s14] =	ssyncadd.s32 $0xFFFFC180  }
0x55: {  	[hbm4b:s29+s4] =	stream.linear.scatter [tilespmem:s13], [sflag:$0x1], $0x3E80, $0x38;
	[tilespmem:$0x1D380] =	vst v63  }
0x56: {  	_ =	swait.ge [sflag:s14], $0x3E80  }
0x57: {  	[sflag:s14] =	ssyncset.done $0x0  }
0x58: {  	[sflag:s14] =	ssyncadd.s32 $0xFFFFC180  }
0x59: {  	[tilespmem:s13], [sflag:$0x1] =	stream.linear.gather [spmem:s17], $0x3E80, $0x38;
	[tilespmem:$0x1D380] =	vst v63  }
0x5a: {  	_ =	swait.ge [sflag:s14], $0x3E80  }
0x5b: {  	[sflag:s14] =	ssyncset.done $0x0  }
0x5c: {  	s31 =	rddreg [dreg:$0xe];
	[sflag:s14] =	ssyncadd.s32 $0xFFFFC180  }
0x5d: {  	[hbm4b:s31+s4] =	stream.linear.scatter [tilespmem:s13], [sflag:$0x1], $0x3E80, $0x38;
	[tilespmem:$0x1D380] =	vst v63  }
0x5e: {  	_ =	swait.ge [sflag:s14], $0x3E80  }
0x5f: {  	[sflag:s14] =	ssyncset.done $0x0  }
0x60: {  	[sflag:s14] =	ssyncadd.s32 $0xFFFFC180  }
.LBB2_12:
0x61: {  	s24 =	sadd.s32 $0x1, s24;
	s0 =	rddreg [dreg:$0x4]  }
0x62: {  	p1 =	sne.s32 s24, s0  }
.Ltmp1:
0x63: {  	_ = 	snop;
	(pc) =	sbr.rel @!p1 .LBB2_13-.Ltmp1, $1  }
0x64: {  	_ =	sdelay $0x3  }
.LBB2_1:
0x65: {  	s26 =	simm.s32 $0x15FD0  }
0x66: {  	[tilespmem:s26+$0xFFFFFFD0] =	vst v0  }
0x67: {  	[tilespmem:s26+$0xFFFFFFE0] =	vst v0  }
0x68: {  	[tilespmem:s26+$0xFFFFFFF0] =	vst v0  }
0x69: {  	[tilespmem:s26+$0x0] =	vst v0  }
0x6a: {  	[tilespmem:s26+$0x10] =	vst v0  }
0x6b: {  	[tilespmem:s26+$0x20] =	vst v0  }
0x6c: {  	[tilespmem:s26+$0x30] =	vst v0  }
0x6d: {  	s31 =	simm.s32 $0x0;
	s29 =	simm.s32 $0x40;
	[tilespmem:s26+$0xFFFFFFC0] =	vst v0  }
.LBB2_2:
0x6e: {  	p1 =	sne.s32 s29, $0x1F00;
	[tilespmem:s31+$0x19E10] =	vst v0;
	s26 =	sadd.s32 $0x80, s26  }
0x6f: {  	[tilespmem:s26+$0xFFFFFFD0] =	vst v0  }
0x70: {  	[tilespmem:s26+$0xFFFFFFE0] =	vst v0  }
0x71: {  	[tilespmem:s26+$0xFFFFFFF0] =	vst v0  }
.Ltmp2:
0x72: {  	[tilespmem:s26+$0x0] =	vst v0;
	(pc) =	sbr.rel @p1 .LBB2_2-.Ltmp2, $4  }
0x73: {  	[tilespmem:s26+$0x10] =	vst v0  }
0x74: {  	[tilespmem:s26+$0x20] =	vst v0  }
0x75: {  	[tilespmem:s26+$0x30] =	vst v0  }
0x76: {  	s31 =	sshra.s32 s29, $0x2;
	s29 =	sadd.s32 $0x40, s29;
	[tilespmem:s26+$0xFFFFFFC0] =	vst v0  }
0x77: {  	[tilespmem:s31+$0x19E10] =	vst v0;
	s26 =	simm.s32 $0x40;
	s29 =	simm.s32 $0x0  }
.LBB2_4:
0x78: {  	p1 =	sne.s32 s26, $0x13C0;
	[tilespmem:s29+$0x1CE80] =	vst v1;
	s29 =	smov.u32 s26;
	s26 =	sadd.s32 $0x40, s26  }
.Ltmp3:
0x79: {  	(pc) =	sbr.rel @p1 .LBB2_4-.Ltmp3, $2  }
0x7a: {  	_ =	sdelay $0x2  }
0x7b: {  	s29 =	sshra.s32 s29, $0x2  }
0x7c: {  	[tilespmem:s29+$0x1CE80] =	vst v1  }
0x7d: {  	[spmem:s8] =	stream.linear.scatter [tilespmem:s13], [sflag:$0x1], $0x3E80, $0x38;
	[tilespmem:$0x1D380] =	vst v63  }
0x7e: {  	_ =	swait.ge [sflag:s14], $0x3E80  }
0x7f: {  	[sflag:s14] =	ssyncset.done $0x0  }
0x80: {  	[sflag:s14] =	ssyncadd.s32 $0xFFFFC180  }
0x81: {  	[spmem:s9] =	stream.linear.scatter [tilespmem:s13], [sflag:$0x1], $0x3E80, $0x38;
	[tilespmem:$0x1D380] =	vst v63  }
0x82: {  	_ =	swait.ge [sflag:s14], $0x3E80  }
0x83: {  	[sflag:s14] =	ssyncset.done $0x0  }
0x84: {  	[sflag:s14] =	ssyncadd.s32 $0xFFFFC180  }
0x85: {  	[spmem:s10] =	stream.linear.scatter [tilespmem:s13], [sflag:$0x1], $0x3E80, $0x38;
	[tilespmem:$0x1D380] =	vst v63  }
0x86: {  	_ =	swait.ge [sflag:s14], $0x3E80  }
0x87: {  	[sflag:s14] =	ssyncset.done $0x0  }
0x88: {  	[sflag:s14] =	ssyncadd.s32 $0xFFFFC180  }
0x89: {  	[spmem:s16] =	stream.linear.scatter [tilespmem:s13], [sflag:$0x1], $0x3E80, $0x38;
	[tilespmem:$0x1D380] =	vst v63  }
0x8a: {  	_ =	swait.ge [sflag:s14], $0x3E80  }
0x8b: {  	[sflag:s14] =	ssyncset.done $0x0  }
0x8c: {  	[sflag:s14] =	ssyncadd.s32 $0xFFFFC180  }
0x8d: {  	[spmem:s17] =	stream.linear.scatter [tilespmem:s13], [sflag:$0x1], $0x3E80, $0x38;
	[tilespmem:$0x1D380] =	vst v63  }
0x8e: {  	_ =	swait.ge [sflag:s14], $0x3E80  }
0x8f: {  	[sflag:s14] =	ssyncset.done $0x0  }
0x90: {  	[sflag:s14] =	ssyncadd.s32 $0xFFFFC180  }
0x91: {  	[spmem:s18] =	stream.linear.scatter [tilespmem:s15], [sflag:$0x1], $0x7D0, $0x38;
	[tilespmem:$0x1D380] =	vst v63  }
0x92: {  	_ =	swait.ge [sflag:s14], $0x7D0  }
0x93: {  	[sflag:s14] =	ssyncset.done $0x0  }
0x94: {  	[sflag:s14] =	ssyncadd.s32 $0xFFFFF830  }
0x95: {  	[spmem:s25] =	stream.linear.scatter [tilespmem:s15], [sflag:$0x1], $0x7D0, $0x38;
	[tilespmem:$0x1D380] =	vst v63  }
0x96: {  	_ =	swait.ge [sflag:s14], $0x7D0  }
0x97: {  	[sflag:s14] =	ssyncset.done $0x0  }
0x98: {  	[sflag:s14] =	ssyncadd.s32 $0xFFFFF830  }
0x99: {  	[spmem:s28] =	stream.linear.scatter [tilespmem:s15], [sflag:$0x1], $0x7D0, $0x38;
	[tilespmem:$0x1D380] =	vst v63  }
0x9a: {  	_ =	swait.ge [sflag:s14], $0x7D0  }
0x9b: {  	[sflag:s14] =	ssyncset.done $0x0  }
0x9c: {  	[sflag:s14] =	ssyncadd.s32 $0xFFFFF830  }
0x9d: {  	[spmem:s30] =	stream.linear.scatter [tilespmem:s15], [sflag:$0x1], $0x7D0, $0x38;
	[tilespmem:$0x1D380] =	vst v63  }
0x9e: {  	_ =	swait.ge [sflag:s14], $0x7D0  }
0x9f: {  	[sflag:s14] =	ssyncset.done $0x0  }
0xa0: {  	[sflag:s14] =	ssyncadd.s32 $0xFFFFF830  }
0xa1: {  	[spmem:s2] =	stream.linear.scatter [tilespmem:s15], [sflag:$0x1], $0x7D0, $0x38;
	[tilespmem:$0x1D380] =	vst v63  }
.Ltmp4:
0xa2: {  	_ =	swait.ge [sflag:s14], $0x7D0;
	(pc) =	sbr.rel @p0 .LBB2_9-.Ltmp4, $3  }
0xa3: {  	[sflag:s14] =	ssyncset.done $0x0  }
0xa4: {  	[sflag:s14] =	ssyncadd.s32 $0xFFFFF830  }
0xa5: {  	[bflag:$0x0] =	sbarrier.arrive $0xFFFF;
	_ =	sdelay $0x1  }
0xa6: {  	s26 =	sadd.s32 $0x0, s12  }
0xa7: {  	[tilespmem:s19], [sflag:$0x1] =	stream.linear.gather [hbm4b:s26+s4], $0x50, $0x38;
	[tilespmem:$0x1D380] =	vst v63  }
0xa8: {  	_ =	swait.ge [sflag:s14], $0x50  }
0xa9: {  	[sflag:s14] =	ssyncset.done $0x0  }
0xaa: {  	s31 =	sadd.s32 $0x0, s11;
	[sflag:s14] =	ssyncadd.s32 $0xFFFFFFB0  }
0xab: {  	[tilespmem:s20], [sflag:$0x1] =	stream.linear.gather [hbm4b:s31+s4], $0x50, $0x38;
	[tilespmem:$0x1D380] =	vst v63  }
0xac: {  	_ =	swait.ge [sflag:s14], $0x50  }
0xad: {  	[sflag:s14] =	ssyncset.done $0x0  }
0xae: {  	[sflag:s14] =	ssyncadd.s32 $0xFFFFFFB0  }
0xaf: {  	[tilespmem:s22], [sflag:$0x1] =	stream.indirect.gather [hbm4b:s5+s21], $0x80, s19, s21, $0xb8;
	[tilespmem:$0x1D380] =	vst v63  }
0xb0: {  	_ =	swait.ge [sflag:s14], $0x2800  }
0xb1: {  	[sflag:s14] =	ssyncset.done $0x0  }
0xb2: {  	[sflag:s14] =	ssyncadd.s32 $0xFFFFD800  }
0xb3: {  	[spmem:s1] =	stream.indirect.scatter.add.f32 [tilespmem:s22], [sflag:$0x1], $0x80, s20, s21, $0xb8;
	[tilespmem:$0x1D380] =	vst v63  }
0xb4: {  	_ =	swait.ge [sflag:s14], $0x2800  }
0xb5: {  	[sflag:s14] =	ssyncset.done $0x0  }
0xb6: {  	[sflag:s14] =	ssyncadd.s32 $0xFFFFD800  }
0xb7: {  	[spmem:s3] =	stream.indirect.scatter.add.f32 [tilespmem:s23], [sflag:$0x1], $0x10, s20, s21, $0xb8;
	[tilespmem:$0x1D380] =	vst v63  }
0xb8: {  	_ =	swait.ge [sflag:s14], $0x500  }
0xb9: {  	s29 =	simm.s32 $0x14;
	s26 =	simm.s32 $0xA;
	[sflag:s14] =	ssyncset.done $0x0  }
.LBB2_7:
0xba: {  	s31 =	sadd.s32 s26, s12  }
0xbb: {  	[sflag:s14] =	ssyncadd.s32 $0xFFFFFB00;
	s0 =	smov.u32 s29;
	s7 =	sadd.s32 $0xA, s29  }
0xbc: {  	[tilespmem:s19], [sflag:$0x1] =	stream.linear.gather [hbm4b:s31+s4], $0x50, $0x38;
	[tilespmem:$0x1D380] =	vst v63  }
0xbd: {  	p1 =	seq.s32 s29, $0x4D8;
	_ =	swait.ge [sflag:s14], $0x50  }
0xbe: {  	[sflag:s14] =	ssyncset.done $0x0  }
0xbf: {  	s29 =	sadd.s32 s26, s11;
	s26 =	smov.u32 s0;
	[sflag:s14] =	ssyncadd.s32 $0xFFFFFFB0  }
0xc0: {  	[tilespmem:s20], [sflag:$0x1] =	stream.linear.gather [hbm4b:s29+s4], $0x50, $0x38;
	[tilespmem:$0x1D380] =	vst v63  }
0xc1: {  	_ =	swait.ge [sflag:s14], $0x50  }
0xc2: {  	[sflag:s14] =	ssyncset.done $0x0  }
0xc3: {  	[sflag:s14] =	ssyncadd.s32 $0xFFFFFFB0  }
0xc4: {  	[tilespmem:s22], [sflag:$0x1] =	stream.indirect.gather [hbm4b:s5+s21], $0x80, s19, s21, $0xb8;
	[tilespmem:$0x1D380] =	vst v63  }
0xc5: {  	_ =	swait.ge [sflag:s14], $0x2800  }
0xc6: {  	[sflag:s14] =	ssyncset.done $0x0  }
0xc7: {  	[sflag:s14] =	ssyncadd.s32 $0xFFFFD800  }
0xc8: {  	[spmem:s1] =	stream.indirect.scatter.add.f32 [tilespmem:s22], [sflag:$0x1], $0x80, s20, s21, $0xb8;
	[tilespmem:$0x1D380] =	vst v63  }
0xc9: {  	_ =	swait.ge [sflag:s14], $0x2800  }
.Ltmp5:
0xca: {  	[sflag:s14] =	ssyncset.done $0x0;
	(pc) =	sbr.rel @!p1 .LBB2_7-.Ltmp5, $4  }
0xcb: {  	[sflag:s14] =	ssyncadd.s32 $0xFFFFD800  }
0xcc: {  	[spmem:s3] =	stream.indirect.scatter.add.f32 [tilespmem:s23], [sflag:$0x1], $0x10, s20, s21, $0xb8;
	[tilespmem:$0x1D380] =	vst v63  }
0xcd: {  	_ =	swait.ge [sflag:s14], $0x500  }
0xce: {  	s29 =	smov.u32 s7;
	[sflag:s14] =	ssyncset.done $0x0  }
0xcf: {  	s0 =	sadd.s32 s26, s12;
	[sflag:s14] =	ssyncadd.s32 $0xFFFFFB00  }
0xd0: {  	[tilespmem:s19], [sflag:$0x1] =	stream.linear.gather [hbm4b:s0+s4], $0x50, $0x38;
	[tilespmem:$0x1D380] =	vst v63  }
0xd1: {  	_ =	swait.ge [sflag:s14], $0x50  }
0xd2: {  	[sflag:s14] =	ssyncset.done $0x0  }
0xd3: {  	s26 =	sadd.s32 s26, s11;
	[sflag:s14] =	ssyncadd.s32 $0xFFFFFFB0  }
0xd4: {  	[tilespmem:s20], [sflag:$0x1] =	stream.linear.gather [hbm4b:s26+s4], $0x50, $0x38;
	[tilespmem:$0x1D380] =	vst v63  }
0xd5: {  	_ =	swait.ge [sflag:s14], $0x50  }
0xd6: {  	[sflag:s14] =	ssyncset.done $0x0  }
0xd7: {  	[sflag:s14] =	ssyncadd.s32 $0xFFFFFFB0  }
0xd8: {  	[tilespmem:s22], [sflag:$0x1] =	stream.indirect.gather [hbm4b:s5+s21], $0x80, s19, s21, $0xb8;
	[tilespmem:$0x1D380] =	vst v63  }
0xd9: {  	_ =	swait.ge [sflag:s14], $0x2800  }
0xda: {  	[sflag:s14] =	ssyncset.done $0x0  }
0xdb: {  	[sflag:s14] =	ssyncadd.s32 $0xFFFFD800  }
0xdc: {  	[spmem:s1] =	stream.indirect.scatter.add.f32 [tilespmem:s22], [sflag:$0x1], $0x80, s20, s21, $0xb8;
	[tilespmem:$0x1D380] =	vst v63  }
0xdd: {  	_ =	swait.ge [sflag:s14], $0x2800  }
0xde: {  	[sflag:s14] =	ssyncset.done $0x0  }
0xdf: {  	[sflag:s14] =	ssyncadd.s32 $0xFFFFD800  }
0xe0: {  	[spmem:s3] =	stream.indirect.scatter.add.f32 [tilespmem:s23], [sflag:$0x1], $0x10, s20, s21, $0xb8;
	[tilespmem:$0x1D380] =	vst v63  }
0xe1: {  	_ =	swait.ge [sflag:s14], $0x500  }
0xe2: {  	[sflag:s14] =	ssyncset.done $0x0  }
0xe3: {  	[sflag:s14] =	ssyncadd.s32 $0xFFFFFB00  }
0xe4: {  	[bflag:$0x0] =	sbarrier.arrive $0xFFFF  }
0xe5: {  	[tilespmem:s13], [sflag:$0x1] =	stream.linear.gather [spmem:s8], $0x3E80, $0x38;
	[tilespmem:$0x1D380] =	vst v63  }
0xe6: {  	_ =	swait.ge [sflag:s14], $0x3E80  }
0xe7: {  	[sflag:s14] =	ssyncset.done $0x0  }
0xe8: {  	s29 =	rddreg [dreg:$0xf];
	[sflag:s14] =	ssyncadd.s32 $0xFFFFC180  }
0xe9: {  	[hbm4b:s29+s4] =	stream.linear.scatter [tilespmem:s13], [sflag:$0x1], $0x3E80, $0x38;
	[tilespmem:$0x1D380] =	vst v63  }
0xea: {  	_ =	swait.ge [sflag:s14], $0x3E80  }
0xeb: {  	[sflag:s14] =	ssyncset.done $0x0  }
0xec: {  	[sflag:s14] =	ssyncadd.s32 $0xFFFFC180  }
0xed: {  	[tilespmem:s13], [sflag:$0x1] =	stream.linear.gather [spmem:s9], $0x3E80, $0x38;
	[tilespmem:$0x1D380] =	vst v63  }
0xee: {  	_ =	swait.ge [sflag:s14], $0x3E80  }
0xef: {  	[sflag:s14] =	ssyncset.done $0x0  }
0xf0: {  	s31 =	rddreg [dreg:$0x10];
	[sflag:s14] =	ssyncadd.s32 $0xFFFFC180  }
0xf1: {  	[hbm4b:s31+s4] =	stream.linear.scatter [tilespmem:s13], [sflag:$0x1], $0x3E80, $0x38;
	[tilespmem:$0x1D380] =	vst v63  }
0xf2: {  	_ =	swait.ge [sflag:s14], $0x3E80  }
0xf3: {  	[sflag:s14] =	ssyncset.done $0x0  }
0xf4: {  	[sflag:s14] =	ssyncadd.s32 $0xFFFFC180  }
0xf5: {  	[tilespmem:s13], [sflag:$0x1] =	stream.linear.gather [spmem:s10], $0x3E80, $0x38;
	[tilespmem:$0x1D380] =	vst v63  }
0xf6: {  	_ =	swait.ge [sflag:s14], $0x3E80  }
0xf7: {  	[sflag:s14] =	ssyncset.done $0x0  }
0xf8: {  	s7 =	rddreg [dreg:$0x11];
	[sflag:s14] =	ssyncadd.s32 $0xFFFFC180  }
0xf9: {  	[hbm4b:s7+s4] =	stream.linear.scatter [tilespmem:s13], [sflag:$0x1], $0x3E80, $0x38;
	[tilespmem:$0x1D380] =	vst v63  }
0xfa: {  	_ =	swait.ge [sflag:s14], $0x3E80  }
0xfb: {  	[sflag:s14] =	ssyncset.done $0x0  }
0xfc: {  	[sflag:s14] =	ssyncadd.s32 $0xFFFFC180  }
0xfd: {  	[tilespmem:s13], [sflag:$0x1] =	stream.linear.gather [spmem:s16], $0x3E80, $0x38;
	[tilespmem:$0x1D380] =	vst v63  }
0xfe: {  	_ =	swait.ge [sflag:s14], $0x3E80  }
0xff: {  	[sflag:s14] =	ssyncset.done $0x0  }
0x100: {  	s26 =	rddreg [dreg:$0x12];
	[sflag:s14] =	ssyncadd.s32 $0xFFFFC180  }
0x101: {  	[hbm4b:s26+s4] =	stream.linear.scatter [tilespmem:s13], [sflag:$0x1], $0x3E80, $0x38;
	[tilespmem:$0x1D380] =	vst v63  }
0x102: {  	_ =	swait.ge [sflag:s14], $0x3E80  }
0x103: {  	[sflag:s14] =	ssyncset.done $0x0  }
0x104: {  	[sflag:s14] =	ssyncadd.s32 $0xFFFFC180  }
0x105: {  	[tilespmem:s13], [sflag:$0x1] =	stream.linear.gather [spmem:s17], $0x3E80, $0x38;
	[tilespmem:$0x1D380] =	vst v63  }
0x106: {  	_ =	swait.ge [sflag:s14], $0x3E80  }
0x107: {  	[sflag:s14] =	ssyncset.done $0x0  }
0x108: {  	s29 =	rddreg [dreg:$0x13];
	[sflag:s14] =	ssyncadd.s32 $0xFFFFC180  }
0x109: {  	[hbm4b:s29+s4] =	stream.linear.scatter [tilespmem:s13], [sflag:$0x1], $0x3E80, $0x38;
	[tilespmem:$0x1D380] =	vst v63  }
0x10a: {  	_ =	swait.ge [sflag:s14], $0x3E80  }
0x10b: {  	[sflag:s14] =	ssyncset.done $0x0  }
0x10c: {  	[sflag:s14] =	ssyncadd.s32 $0xFFFFC180  }
0x10d: {  	[tilespmem:s15], [sflag:$0x1] =	stream.linear.gather [spmem:s18], $0x7D0, $0x38;
	[tilespmem:$0x1D380] =	vst v63  }
0x10e: {  	_ =	swait.ge [sflag:s14], $0x7D0  }
0x10f: {  	[sflag:s14] =	ssyncset.done $0x0  }
0x110: {  	s31 =	rddreg [dreg:$0x5];
	[sflag:s14] =	ssyncadd.s32 $0xFFFFF830  }
0x111: {  	[hbm4b:s31+s4] =	stream.linear.scatter [tilespmem:s15], [sflag:$0x1], $0x7D0, $0x38;
	[tilespmem:$0x1D380] =	vst v63  }
0x112: {  	_ =	swait.ge [sflag:s14], $0x7D0  }
0x113: {  	[sflag:s14] =	ssyncset.done $0x0  }
0x114: {  	[sflag:s14] =	ssyncadd.s32 $0xFFFFF830  }
0x115: {  	[tilespmem:s15], [sflag:$0x1] =	stream.linear.gather [spmem:s25], $0x7D0, $0x38;
	[tilespmem:$0x1D380] =	vst v63  }
0x116: {  	_ =	swait.ge [sflag:s14], $0x7D0  }
0x117: {  	[sflag:s14] =	ssyncset.done $0x0  }
0x118: {  	s7 =	rddreg [dreg:$0x6];
	[sflag:s14] =	ssyncadd.s32 $0xFFFFF830  }
0x119: {  	[hbm4b:s7+s4] =	stream.linear.scatter [tilespmem:s15], [sflag:$0x1], $0x7D0, $0x38;
	[tilespmem:$0x1D380] =	vst v63  }
0x11a: {  	_ =	swait.ge [sflag:s14], $0x7D0  }
0x11b: {  	[sflag:s14] =	ssyncset.done $0x0  }
0x11c: {  	[sflag:s14] =	ssyncadd.s32 $0xFFFFF830  }
0x11d: {  	[tilespmem:s15], [sflag:$0x1] =	stream.linear.gather [spmem:s28], $0x7D0, $0x38;
	[tilespmem:$0x1D380] =	vst v63  }
0x11e: {  	_ =	swait.ge [sflag:s14], $0x7D0  }
0x11f: {  	[sflag:s14] =	ssyncset.done $0x0  }
0x120: {  	s26 =	rddreg [dreg:$0x7];
	[sflag:s14] =	ssyncadd.s32 $0xFFFFF830  }
0x121: {  	[hbm4b:s26+s4] =	stream.linear.scatter [tilespmem:s15], [sflag:$0x1], $0x7D0, $0x38;
	[tilespmem:$0x1D380] =	vst v63  }
0x122: {  	_ =	swait.ge [sflag:s14], $0x7D0  }
0x123: {  	[sflag:s14] =	ssyncset.done $0x0  }
0x124: {  	[sflag:s14] =	ssyncadd.s32 $0xFFFFF830  }
0x125: {  	[tilespmem:s15], [sflag:$0x1] =	stream.linear.gather [spmem:s30], $0x7D0, $0x38;
	[tilespmem:$0x1D380] =	vst v63  }
0x126: {  	_ =	swait.ge [sflag:s14], $0x7D0  }
0x127: {  	[sflag:s14] =	ssyncset.done $0x0  }
0x128: {  	s29 =	rddreg [dreg:$0x8];
	[sflag:s14] =	ssyncadd.s32 $0xFFFFF830  }
0x129: {  	[hbm4b:s29+s4] =	stream.linear.scatter [tilespmem:s15], [sflag:$0x1], $0x7D0, $0x38;
	[tilespmem:$0x1D380] =	vst v63  }
0x12a: {  	_ =	swait.ge [sflag:s14], $0x7D0  }
0x12b: {  	[sflag:s14] =	ssyncset.done $0x0  }
0x12c: {  	[sflag:s14] =	ssyncadd.s32 $0xFFFFF830  }
0x12d: {  	[tilespmem:s15], [sflag:$0x1] =	stream.linear.gather [spmem:s2], $0x7D0, $0x38;
	[tilespmem:$0x1D380] =	vst v63  }
0x12e: {  	_ =	swait.ge [sflag:s14], $0x7D0  }
0x12f: {  	[sflag:s14] =	ssyncset.done $0x0  }
.Ltmp6:
0x130: {  	s31 =	rddreg [dreg:$0x9];
	[sflag:s14] =	ssyncadd.s32 $0xFFFFF830;
	(pc) =	sbr.rel .LBB2_12-.Ltmp6, $4  }
0x131: {  	[hbm4b:s31+s4] =	stream.linear.scatter [tilespmem:s15], [sflag:$0x1], $0x7D0, $0x38;
	[tilespmem:$0x1D380] =	vst v63  }
0x132: {  	_ =	swait.ge [sflag:s14], $0x7D0  }
0x133: {  	[sflag:s14] =	ssyncset.done $0x0  }
0x134: {  	[sflag:s14] =	ssyncadd.s32 $0xFFFFF830  }
.LBB2_9:
0x135: {  	s0 =	sadd.s32 $0x0, s12  }
0x136: {  	[tilespmem:s19], [sflag:$0x1] =	stream.linear.gather [hbm4b:s0+s4], $0x50, $0x38;
	[tilespmem:$0x1D380] =	vst v63  }
0x137: {  	_ =	swait.ge [sflag:s14], $0x50  }
0x138: {  	[sflag:s14] =	ssyncset.done $0x0  }
0x139: {  	s31 =	sadd.s32 $0x0, s11;
	[sflag:s14] =	ssyncadd.s32 $0xFFFFFFB0  }
0x13a: {  	[tilespmem:s20], [sflag:$0x1] =	stream.linear.gather [hbm4b:s31+s4], $0x50, $0x38;
	[tilespmem:$0x1D380] =	vst v63  }
0x13b: {  	_ =	swait.ge [sflag:s14], $0x50  }
0x13c: {  	[sflag:s14] =	ssyncset.done $0x0  }
0x13d: {  	[sflag:s14] =	ssyncadd.s32 $0xFFFFFFB0  }
0x13e: {  	[tilespmem:s22], [sflag:$0x1] =	stream.indirect.gather [hbm4b:s6+s21], $0x80, s19, s21, $0xb8;
	[tilespmem:$0x1D380] =	vst v63  }
0x13f: {  	_ =	swait.ge [sflag:s14], $0x2800  }
0x140: {  	[sflag:s14] =	ssyncset.done $0x0  }
0x141: {  	[sflag:s14] =	ssyncadd.s32 $0xFFFFD800  }
0x142: {  	[spmem:s1] =	stream.indirect.scatter.add.f32 [tilespmem:s22], [sflag:$0x1], $0x80, s20, s21, $0xb8;
	[tilespmem:$0x1D380] =	vst v63  }
0x143: {  	_ =	swait.ge [sflag:s14], $0x2800  }
0x144: {  	[sflag:s14] =	ssyncset.done $0x0  }
0x145: {  	[sflag:s14] =	ssyncadd.s32 $0xFFFFD800  }
0x146: {  	[spmem:s3] =	stream.indirect.scatter.add.f32 [tilespmem:s23], [sflag:$0x1], $0x10, s20, s21, $0xb8;
	[tilespmem:$0x1D380] =	vst v63  }
0x147: {  	_ =	swait.ge [sflag:s14], $0x500  }
0x148: {  	s26 =	simm.s32 $0xA;
	s29 =	simm.s32 $0x14;
	[sflag:s14] =	ssyncset.done $0x0  }
.LBB2_10:
0x149: {  	s0 =	sadd.s32 s26, s12  }
0x14a: {  	[sflag:s14] =	ssyncadd.s32 $0xFFFFFB00;
	s7 =	smov.u32 s29;
	s31 =	sadd.s32 $0xA, s29  }
0x14b: {  	[tilespmem:s19], [sflag:$0x1] =	stream.linear.gather [hbm4b:s0+s4], $0x50, $0x38;
	[tilespmem:$0x1D380] =	vst v63  }
0x14c: {  	p1 =	seq.s32 s29, $0x4D8;
	_ =	swait.ge [sflag:s14], $0x50  }
0x14d: {  	[sflag:s14] =	ssyncset.done $0x0  }
0x14e: {  	s0 =	sadd.s32 s26, s11;
	s26 =	smov.u32 s7;
	[sflag:s14] =	ssyncadd.s32 $0xFFFFFFB0  }
0x14f: {  	[tilespmem:s20], [sflag:$0x1] =	stream.linear.gather [hbm4b:s0+s4], $0x50, $0x38;
	[tilespmem:$0x1D380] =	vst v63  }
0x150: {  	_ =	swait.ge [sflag:s14], $0x50  }
0x151: {  	[sflag:s14] =	ssyncset.done $0x0  }
0x152: {  	[sflag:s14] =	ssyncadd.s32 $0xFFFFFFB0  }
0x153: {  	[tilespmem:s22], [sflag:$0x1] =	stream.indirect.gather [hbm4b:s6+s21], $0x80, s19, s21, $0xb8;
	[tilespmem:$0x1D380] =	vst v63  }
0x154: {  	_ =	swait.ge [sflag:s14], $0x2800  }
0x155: {  	[sflag:s14] =	ssyncset.done $0x0  }
0x156: {  	[sflag:s14] =	ssyncadd.s32 $0xFFFFD800  }
0x157: {  	[spmem:s1] =	stream.indirect.scatter.add.f32 [tilespmem:s22], [sflag:$0x1], $0x80, s20, s21, $0xb8;
	[tilespmem:$0x1D380] =	vst v63  }
0x158: {  	_ =	swait.ge [sflag:s14], $0x2800  }
.Ltmp7:
0x159: {  	[sflag:s14] =	ssyncset.done $0x0;
	(pc) =	sbr.rel @!p1 .LBB2_10-.Ltmp7, $4  }
0x15a: {  	[sflag:s14] =	ssyncadd.s32 $0xFFFFD800  }
0x15b: {  	[spmem:s3] =	stream.indirect.scatter.add.f32 [tilespmem:s23], [sflag:$0x1], $0x10, s20, s21, $0xb8;
	[tilespmem:$0x1D380] =	vst v63  }
0x15c: {  	_ =	swait.ge [sflag:s14], $0x500  }
0x15d: {  	s29 =	smov.u32 s31;
	[sflag:s14] =	ssyncset.done $0x0  }
.Ltmp8:
0x15e: {  	_ = 	snop;
	(pc) =	sbr.rel .LBB2_11-.Ltmp8, $1  }
0x15f: {  	_ =	sdelay $0x3  }
.LBB2_13:
0x160: {  	_ =	sfence.sel $0x180000  }
0x161: {  	[bflag:$0x0] =	sbarrier.arrive $0xFFFF  }
0x162: {  	_ =	strace $0x9000004A  }
0x163: {  	s0 =	stileid.u32;
	[bflag:$0x2] =	sbarrier.arrive $0xFFFF  }
0x164: {  	p0 =	sne.s32 s0, $0x0;
	s0 =	rddreg [dreg:$0x3]  }
0x165: {  	s0 =	sadd.s32 @!p0 $0x100000, s0  }
0x166: {  	[sflag:s0] =	ssyncadd.tile.s32 @!p0 $0x1;
	_ =	shalt  }
.Lfunc_end2:
_tile_overlayer_lowered:
.L_overlay_start_2:
0x167: {  	(tag) =	ssettag $0x2  }
0x168: {  	s0 =	rddreg [dreg:$0x0];
	s2 =	stileid.u32  }
0x169: {  	s1 =	rddreg [dreg:$0x1];
	p0 =	sne.s32 s2, $0x0  }
0x16a: {  	s3 =	rddreg [dreg:$0x2];
	[bflag:$0x3] =	sbarrier.arrive $0xFFFF;
	s2 =	simm.s32 @!p0 $0x1C01  }
0x16b: {  	[timem:s3], [sflag:s2] =	dma.local @!p0 [hbm:s0], s1  }
0x16c: {  	s0 =	simm.s32 @!p0 $0x1  }
0x16d: {  	_ =	swait.ge @!p0 [sflag:s0], s1  }
0x16e: {  	s1 =	ssub.s32 @!p0 $0x0, s1;
	[sflag:s0] =	ssyncset.done @!p0 $0x0  }
0x16f: {  	[sflag:s0] =	ssyncadd.s32 @!p0 s1  }
0x170: {  	[bflag:$0x3] =	sbarrier.arrive $0xFFFF  }
0x171: {  	_ =	shalt  }

</sc_bundles>
